<compile_context>
chip_gen: v7x
topology: tpu7x:2x2x1
jax: 0.10.2.dev20260603
libtpu: 0.0.44.dev20260713+nightly
codegen_flags: <defaults>
</compile_context>

<pallas_src>
import functools

import jax
import jax.numpy as jnp
from jax import lax
from jax.experimental import pallas as pl
from jax.experimental.pallas import tpu as pltpu
from jax.experimental.pallas import tpu_sc as plsc

_E = 320000
_NW = 32
_MAIN = 9984
_REM = _E - _MAIN * _NW
_FLAT = _MAIN + _REM
_NPAD = 10240
_ZCH = _NPAD // 16
_DUMP = _NPAD - 2


def _sc_histograms(ei):
  mesh = plsc.VectorSubcoreMesh(core_axis_name="c", subcore_axis_name="s")

  @functools.partial(
      pl.kernel,
      out_type=(
          jax.ShapeDtypeStruct((2, _NPAD), jnp.int32),
          jax.ShapeDtypeStruct((2, _NPAD), jnp.int32),
      ),
      mesh=mesh,
      scratch_types=[
          pltpu.VMEM((_FLAT,), jnp.int32),
          pltpu.VMEM((_FLAT,), jnp.int32),
          pltpu.VMEM((_FLAT,), jnp.int32),
          pltpu.VMEM((_FLAT,), jnp.int32),
          pltpu.VMEM((_ZCH,), jnp.int32),
          pltpu.VMEM_SHARED((_NPAD,), jnp.int32),
          pltpu.VMEM_SHARED((_NPAD,), jnp.int32),
          pltpu.SemaphoreType.DMA,
          pltpu.SemaphoreType.DMA,
          pltpu.SemaphoreType.DMA,
      ],
  )
  def hist_kernel(ei_hbm, out_indeg, out_cnt0,
                  src_v, dst_v, ones_v, val_v, zero_v,
                  hist_d, hist_c, sem_a, sem_b, sem_z):
    c = lax.axis_index("c")
    s = lax.axis_index("s")
    wid = s * 2 + c
    base = wid * _MAIN
    cp_d = pltpu.async_copy(
        ei_hbm.at[1, pl.ds(base, _MAIN)], dst_v.at[pl.ds(0, _MAIN)], sem_b)
    cp_s = pltpu.async_copy(
        ei_hbm.at[0, pl.ds(base, _MAIN)], src_v.at[pl.ds(0, _MAIN)], sem_a)

    @pl.when(wid == _NW - 1)
    def _():
      pltpu.sync_copy(ei_hbm.at[0, pl.ds(_MAIN * _NW, _REM)],
                      src_v.at[pl.ds(_MAIN, _REM)])
      pltpu.sync_copy(ei_hbm.at[1, pl.ds(_MAIN * _NW, _REM)],
                      dst_v.at[pl.ds(_MAIN, _REM)])

    zero16 = jnp.full((16,), 0, jnp.int32)
    one16 = jnp.full((16,), 1, jnp.int32)

    @pl.when(wid != _NW - 1)
    def _():
      dump16 = jnp.full((16,), _DUMP, jnp.int32)

      def pad_body(i, carry):
        sl = pl.ds(_MAIN + i * 16, 16)
        src_v[sl] = zero16
        dst_v[sl] = dump16
        return carry

      lax.fori_loop(0, _REM // 16, pad_body, 0)

    def zero_body(i, carry):
      zero_v[pl.ds(i * 32, 16)] = zero16
      zero_v[pl.ds(i * 32 + 16, 16)] = zero16
      return carry

    lax.fori_loop(0, _ZCH // 32, zero_body, 0)
    zc_d = pltpu.async_copy(zero_v, hist_d.at[pl.ds(s * _ZCH, _ZCH)], sem_z)
    zc_c = pltpu.async_copy(zero_v, hist_c.at[pl.ds(s * _ZCH, _ZCH)], sem_z)

    def ones_body(i, carry):
      for j in range(4):
        ones_v[pl.ds(i * 64 + j * 16, 16)] = one16
      return carry

    lax.fori_loop(0, _FLAT // 64, ones_body, 0)
    zc_d.wait()
    zc_c.wait()

    cp_d.wait()
    plsc.subcore_barrier()

    sc_d = pltpu.async_copy(ones_v, hist_d.at[dst_v], sem_b, add=True)

    halfv = _FLAT // 2

    def val_body(i, carry):
      for j in range(4):
        sl = pl.ds(i * 64 + j * 16, 16)
        val_v[sl] = jnp.where(dst_v[sl] == 0, 1, 0).astype(jnp.int32)
      return carry

    lax.fori_loop(0, halfv // 64, val_body, 0)
    cp_s.wait()
    sc_c1 = pltpu.async_copy(
        val_v.at[pl.ds(0, halfv)],
        hist_c.at[src_v.at[pl.ds(0, halfv)]], sem_a, add=True)
    lax.fori_loop(halfv // 64, _FLAT // 64, val_body, 0)
    sc_c2 = pltpu.async_copy(
        val_v.at[pl.ds(halfv, _FLAT - halfv)],
        hist_c.at[src_v.at[pl.ds(halfv, _FLAT - halfv)]], sem_a, add=True)
    sc_d.wait()
    sc_c1.wait()
    sc_c2.wait()
    plsc.subcore_barrier()

    @pl.when(s == 0)
    def _():
      pltpu.sync_copy(hist_d, out_indeg.at[c])
      pltpu.sync_copy(hist_c, out_cnt0.at[c])

  return hist_kernel(ei)


def _tc_dense(ind2, cnt2, x, w_emb, b_emb2, w_gcn, b_gcn2, w_cls, b_cls2):
  nb = x.shape[0]
  d = x.shape[1]

  def body(ind_ref, cnt_ref, x_ref, we_ref, be_ref, wg_ref, bg_ref,
           wc_ref, bc_ref, o_ref):
    xx = x_ref[:]
    e0 = jnp.maximum(
        jnp.dot(xx, we_ref[:], preferred_element_type=jnp.float32)
        + be_ref[:], 0.0)
    h1 = jnp.dot(e0, wg_ref[:], preferred_element_type=jnp.float32)
    bg = bg_ref[:]
    h2 = jnp.concatenate([h1[b:b + 1, :] for b in range(nb)], axis=1)
    bg2 = jnp.concatenate([bg] * nb, axis=1)
    h2_hi = h2.astype(jnp.bfloat16).astype(jnp.float32)
    h2_lo = h2 - h2_hi

    ind_full = (ind_ref[0:1, :] + ind_ref[1:2, :]).astype(jnp.float32)
    cnt_full = (cnt_ref[0:1, :] + cnt_ref[1:2, :]).astype(jnp.float32)
    dn = (((0,), (0,)), ((), ()))
    outer = (
        lax.dot_general(ind_full, h2_hi, dn,
                        preferred_element_type=jnp.float32)
        + lax.dot_general(ind_full, h2_lo, dn,
                          preferred_element_type=jnp.float32))
    z = jnp.maximum(outer + bg2, 0.0)
    acc = jnp.dot(cnt_full, z, preferred_element_type=jnp.float32)

    sm = jnp.concatenate(
        [acc[:, b * 128:(b + 1) * 128] for b in range(nb)], axis=0)
    out2 = jnp.maximum(
        jnp.dot(sm, wg_ref[:], preferred_element_type=jnp.float32) + bg, 0.0)
    y = jnp.dot(out2, wc_ref[:], preferred_element_type=jnp.float32) + bc_ref[:]
    o_ref[:] = y

  return pl.pallas_call(
      body,
      out_shape=jax.ShapeDtypeStruct((nb, 1), jnp.float32),
  )(ind2, cnt2, x, w_emb, b_emb2, w_gcn, b_gcn2, w_cls, b_cls2)


def kernel(x, edge_index, W_emb, b_emb, W_gcn, b_gcn, W_cls, b_cls):
  ei = edge_index.astype(jnp.int32)
  ind2, cnt2 = _sc_histograms(ei)
  d = x.shape[1]
  return _tc_dense(
      ind2, cnt2, x, W_emb, b_emb.reshape(1, d), W_gcn,
      b_gcn.reshape(1, d), W_cls, b_cls.reshape(1, 1))

# --- scband reference (transcript-rebuilt; emitter-appended) ---
"""Pipeline reference for scband-gcn-27023934226807 (READ-ONLY COPY).

The authoritative reference and input builder live on the scoring server;
editing this copy changes nothing except your own understanding.
"""

import jax, jax.numpy as jnp
import numpy as np

N_NODES = 10000
N_EDGES = 320000
D = 128
B = 2
N_CONV = 2

def setup_inputs(seed: int = 0) -> dict:
    key = jax.random.key(seed)
    ks = jax.random.split(key, 8)
    x = jax.random.normal(ks[0], (B, D), dtype=jnp.float32)
    edge_index = jax.random.randint(ks[1], (2, N_EDGES), 0, N_NODES, dtype=jnp.int64)
    W_emb = jax.random.normal(ks[2], (D, D), dtype=jnp.float32) * (2.0 / np.sqrt(D))
    b_emb = jnp.zeros((D,), dtype=jnp.float32)
    W_gcn = jax.random.normal(ks[3], (D, D), dtype=jnp.float32) * (2.0 / np.sqrt(D))
    b_gcn = jnp.zeros((D,), dtype=jnp.float32)
    W_cls = jax.random.normal(ks[4], (D, 1), dtype=jnp.float32) * (2.0 / np.sqrt(D))
    b_cls = jnp.zeros((1,), dtype=jnp.float32)
    return {"x": x, "edge_index": edge_index, "W_emb": W_emb, "b_emb": b_emb, "W_gcn": W_gcn, "b_gcn": b_gcn, "W_cls": W_cls, "b_cls": b_cls}

def reference(x, edge_index, W_emb, b_emb, W_gcn, b_gcn, W_cls, b_cls):
    # Replicate the original forward: tile each batch element's flattened
    # features across all nodes, offset edge indices per batch element.
    x_batch = jnp.repeat(x.reshape(B, -1), N_NODES, axis=0)  # [B*N, D]
    offsets = (jnp.arange(B, dtype=edge_index.dtype) * N_NODES)  # [B]
    eib = (edge_index[:, None, :] + offsets[None, :, None]).reshape(2, B * N_EDGES)
    out = jax.nn.relu(x_batch @ W_emb + b_emb)
    src = eib[0]
    dst = eib[1]
    for _ in range(N_CONV):
        h = out @ W_gcn  # GCNConv(add_self_loops=False, normalize=False)
        msgs = jnp.take(h, src, axis=0)
        agg = jnp.zeros_like(h).at[dst].add(msgs)
        out = jax.nn.relu(agg + b_gcn)
    out = out[::N_NODES, :]  # first node of each replicated graph
    return out @ W_cls + b_cls

if __name__ == "__main__":
    import jax
    _d = setup_inputs()
    print(jax.jit(kernel)(*tuple(_d.values())))

</pallas_src>

<mosaic_0001>
#map = affine_map<(d0, d1) -> (0, 0)>
module attributes {stable_mosaic.version = 14 : i64} {
  func.func @hist_kernel(%arg0: i32, %arg1: i32, %arg2: memref<2x320000xi32, #tpu.memory_space<hbm>>, %arg3: memref<2x10240xi32, #tpu.memory_space<hbm>>, %arg4: memref<2x10240xi32, #tpu.memory_space<hbm>>, %arg5: memref<10496xi32, #tpu.memory_space<vmem>>, %arg6: memref<10496xi32, #tpu.memory_space<vmem>>, %arg7: memref<10496xi32, #tpu.memory_space<vmem>>, %arg8: memref<10496xi32, #tpu.memory_space<vmem>>, %arg9: memref<640xi32, #tpu.memory_space<vmem>>, %arg10: memref<10240xi32, #tpu.memory_space<vmem_shared>>, %arg11: memref<10240xi32, #tpu.memory_space<vmem_shared>>, %arg12: memref<!tpu.dma_semaphore, #tpu.memory_space<semaphore_mem>>, %arg13: memref<!tpu.dma_semaphore, #tpu.memory_space<semaphore_mem>>, %arg14: memref<!tpu.dma_semaphore, #tpu.memory_space<semaphore_mem>>) attributes {dimension_semantics = [#tpu.dimension_semantics<core_parallel>, #tpu.dimension_semantics<subcore_parallel>], iteration_bounds = array<i64: 2, 16>, scalar_prefetch = 0 : i64, scratch_operands = 10 : i64, tpu.core_type = #tpu.core_type<sc_vector_subcore>, window_params = [{transform_indices = #map}, {transform_indices = #map}, {transform_indices = #map}]} {
    %mul3A = arith.constant 2 : i32
    %mul3A_0 = arith.muli %arg1, %mul3A : i32
    %add3A = arith.addi %mul3A_0, %arg0 : i32
    %mul3A_1 = arith.constant 9984 : i32
    %mul3A_2 = arith.muli %add3A, %mul3A_1 : i32
    %dma_start3A = arith.constant 1 : i32
    %dma_start3A_3 = arith.constant 0 : i32
    %dma_start3A_4 = tpu.memref_slice %arg6[%dma_start3A_3] : memref<10496xi32, #tpu.memory_space<vmem>> -> memref<9984xi32, #tpu.memory_space<vmem>>
    %dma_start3A_5 = tpu.memref_slice %arg2[%dma_start3A, %mul3A_2] : memref<2x320000xi32, #tpu.memory_space<hbm>> -> memref<1x9984xi32, #tpu.memory_space<hbm>>
    %dma_start3A_6 = tpu.memref_squeeze %dma_start3A_5 : memref<1x9984xi32, #tpu.memory_space<hbm>> -> memref<9984xi32, #tpu.memory_space<hbm>>
    %dma_start3A_7 = arith.constant 0 : i32
    %dma_start3A_8 = tpu.memref_slice %arg6[%dma_start3A_7] : memref<10496xi32, #tpu.memory_space<vmem>> -> memref<9984xi32, #tpu.memory_space<vmem>>
    %dma_start3A_9 = tpu.memref_slice %arg2[%dma_start3A, %mul3A_2] : memref<2x320000xi32, #tpu.memory_space<hbm>> -> memref<1x9984xi32, #tpu.memory_space<hbm>>
    %dma_start3A_10 = tpu.memref_squeeze %dma_start3A_9 : memref<1x9984xi32, #tpu.memory_space<hbm>> -> memref<9984xi32, #tpu.memory_space<hbm>>
    tpu.enqueue_dma source(%dma_start3A_10 : memref<9984xi32, #tpu.memory_space<hbm>>) target(%dma_start3A_8 : memref<9984xi32, #tpu.memory_space<vmem>>) target_semaphore(%arg13 : memref<!tpu.dma_semaphore, #tpu.memory_space<semaphore_mem>>)
    %dma_start3A_11 = arith.constant 0 : i32
    %dma_start3A_12 = arith.constant 0 : i32
    %dma_start3A_13 = tpu.memref_slice %arg5[%dma_start3A_12] : memref<10496xi32, #tpu.memory_space<vmem>> -> memref<9984xi32, #tpu.memory_space<vmem>>
    %dma_start3A_14 = tpu.memref_slice %arg2[%dma_start3A_11, %mul3A_2] : memref<2x320000xi32, #tpu.memory_space<hbm>> -> memref<1x9984xi32, #tpu.memory_space<hbm>>
    %dma_start3A_15 = tpu.memref_squeeze %dma_start3A_14 : memref<1x9984xi32, #tpu.memory_space<hbm>> -> memref<9984xi32, #tpu.memory_space<hbm>>
    %dma_start3A_16 = arith.constant 0 : i32
    %dma_start3A_17 = tpu.memref_slice %arg5[%dma_start3A_16] : memref<10496xi32, #tpu.memory_space<vmem>> -> memref<9984xi32, #tpu.memory_space<vmem>>
    %dma_start3A_18 = tpu.memref_slice %arg2[%dma_start3A_11, %mul3A_2] : memref<2x320000xi32, #tpu.memory_space<hbm>> -> memref<1x9984xi32, #tpu.memory_space<hbm>>
    %dma_start3A_19 = tpu.memref_squeeze %dma_start3A_18 : memref<1x9984xi32, #tpu.memory_space<hbm>> -> memref<9984xi32, #tpu.memory_space<hbm>>
    tpu.enqueue_dma source(%dma_start3A_19 : memref<9984xi32, #tpu.memory_space<hbm>>) target(%dma_start3A_17 : memref<9984xi32, #tpu.memory_space<vmem>>) target_semaphore(%arg12 : memref<!tpu.dma_semaphore, #tpu.memory_space<semaphore_mem>>)
    %eq3A = arith.constant 31 : i32
    %eq3A_20 = arith.cmpi eq, %add3A, %eq3A : i32
    %convert_element_type3A = arith.extui %eq3A_20 : i1 to i32
    %cond3A = arith.constant 0 : i32
    %cond3A_21 = arith.cmpi ne, %convert_element_type3A, %cond3A : i32
    scf.if %cond3A_21 {
      %run_scoped3A = arith.constant 0 : i32
      "tpu.region"() ({
        %run_scoped3A_116 = tpu.sem_alloc : memref<!tpu.dma_semaphore, #tpu.memory_space<semaphore_mem>>
        %dma_start3A_117 = arith.constant 9984 : i32
        %dma_start3A_118 = tpu.memref_slice %arg5[%dma_start3A_117] : memref<10496xi32, #tpu.memory_space<vmem>> -> memref<512xi32, #tpu.memory_space<vmem>>
        %dma_start3A_119 = arith.constant 319488 : i32
        %dma_start3A_120 = tpu.memref_slice %arg2[%run_scoped3A, %dma_start3A_119] : memref<2x320000xi32, #tpu.memory_space<hbm>> -> memref<1x512xi32, #tpu.memory_space<hbm>>
        %dma_start3A_121 = tpu.memref_squeeze %dma_start3A_120 : memref<1x512xi32, #tpu.memory_space<hbm>> -> memref<512xi32, #tpu.memory_space<hbm>>
        %dma_start3A_122 = arith.constant 9984 : i32
        %dma_start3A_123 = tpu.memref_slice %arg5[%dma_start3A_122] : memref<10496xi32, #tpu.memory_space<vmem>> -> memref<512xi32, #tpu.memory_space<vmem>>
        %dma_start3A_124 = arith.constant 319488 : i32
        %dma_start3A_125 = tpu.memref_slice %arg2[%run_scoped3A, %dma_start3A_124] : memref<2x320000xi32, #tpu.memory_space<hbm>> -> memref<1x512xi32, #tpu.memory_space<hbm>>
        %dma_start3A_126 = tpu.memref_squeeze %dma_start3A_125 : memref<1x512xi32, #tpu.memory_space<hbm>> -> memref<512xi32, #tpu.memory_space<hbm>>
        tpu.enqueue_dma source(%dma_start3A_126 : memref<512xi32, #tpu.memory_space<hbm>>) target(%dma_start3A_123 : memref<512xi32, #tpu.memory_space<vmem>>) target_semaphore(%run_scoped3A_116 : memref<!tpu.dma_semaphore, #tpu.memory_space<semaphore_mem>>)
        %dma_wait3A_127 = arith.constant 9984 : i32
        %dma_wait3A_128 = tpu.memref_slice %arg5[%dma_wait3A_127] : memref<10496xi32, #tpu.memory_space<vmem>> -> memref<512xi32, #tpu.memory_space<vmem>>
        %dma_wait3A_129 = arith.constant 319488 : i32
        %dma_wait3A_130 = tpu.memref_slice %arg2[%run_scoped3A, %dma_wait3A_129] : memref<2x320000xi32, #tpu.memory_space<hbm>> -> memref<1x512xi32, #tpu.memory_space<hbm>>
        %dma_wait3A_131 = tpu.memref_squeeze %dma_wait3A_130 : memref<1x512xi32, #tpu.memory_space<hbm>> -> memref<512xi32, #tpu.memory_space<hbm>>
        %dma_wait3A_132 = arith.constant 9984 : i32
        %dma_wait3A_133 = tpu.memref_slice %arg5[%dma_wait3A_132] : memref<10496xi32, #tpu.memory_space<vmem>> -> memref<512xi32, #tpu.memory_space<vmem>>
        %dma_wait3A_134 = arith.constant 319488 : i32
        %dma_wait3A_135 = tpu.memref_slice %arg2[%run_scoped3A, %dma_wait3A_134] : memref<2x320000xi32, #tpu.memory_space<hbm>> -> memref<1x512xi32, #tpu.memory_space<hbm>>
        %dma_wait3A_136 = tpu.memref_squeeze %dma_wait3A_135 : memref<1x512xi32, #tpu.memory_space<hbm>> -> memref<512xi32, #tpu.memory_space<hbm>>
        tpu.wait_dma2 semaphore(%run_scoped3A_116 : memref<!tpu.dma_semaphore, #tpu.memory_space<semaphore_mem>>) src(%dma_wait3A_136 : memref<512xi32, #tpu.memory_space<hbm>>) dst(%dma_wait3A_133 : memref<512xi32, #tpu.memory_space<vmem>>)
        tpu.yield
      }) : () -> ()
      %run_scoped3A_115 = arith.constant 1 : i32
      "tpu.region"() ({
        %run_scoped3A_116 = tpu.sem_alloc : memref<!tpu.dma_semaphore, #tpu.memory_space<semaphore_mem>>
        %dma_start3A_117 = arith.constant 9984 : i32
        %dma_start3A_118 = tpu.memref_slice %arg6[%dma_start3A_117] : memref<10496xi32, #tpu.memory_space<vmem>> -> memref<512xi32, #tpu.memory_space<vmem>>
        %dma_start3A_119 = arith.constant 319488 : i32
        %dma_start3A_120 = tpu.memref_slice %arg2[%run_scoped3A_115, %dma_start3A_119] : memref<2x320000xi32, #tpu.memory_space<hbm>> -> memref<1x512xi32, #tpu.memory_space<hbm>>
        %dma_start3A_121 = tpu.memref_squeeze %dma_start3A_120 : memref<1x512xi32, #tpu.memory_space<hbm>> -> memref<512xi32, #tpu.memory_space<hbm>>
        %dma_start3A_122 = arith.constant 9984 : i32
        %dma_start3A_123 = tpu.memref_slice %arg6[%dma_start3A_122] : memref<10496xi32, #tpu.memory_space<vmem>> -> memref<512xi32, #tpu.memory_space<vmem>>
        %dma_start3A_124 = arith.constant 319488 : i32
        %dma_start3A_125 = tpu.memref_slice %arg2[%run_scoped3A_115, %dma_start3A_124] : memref<2x320000xi32, #tpu.memory_space<hbm>> -> memref<1x512xi32, #tpu.memory_space<hbm>>
        %dma_start3A_126 = tpu.memref_squeeze %dma_start3A_125 : memref<1x512xi32, #tpu.memory_space<hbm>> -> memref<512xi32, #tpu.memory_space<hbm>>
        tpu.enqueue_dma source(%dma_start3A_126 : memref<512xi32, #tpu.memory_space<hbm>>) target(%dma_start3A_123 : memref<512xi32, #tpu.memory_space<vmem>>) target_semaphore(%run_scoped3A_116 : memref<!tpu.dma_semaphore, #tpu.memory_space<semaphore_mem>>)
        %dma_wait3A_127 = arith.constant 9984 : i32
        %dma_wait3A_128 = tpu.memref_slice %arg6[%dma_wait3A_127] : memref<10496xi32, #tpu.memory_space<vmem>> -> memref<512xi32, #tpu.memory_space<vmem>>
        %dma_wait3A_129 = arith.constant 319488 : i32
        %dma_wait3A_130 = tpu.memref_slice %arg2[%run_scoped3A_115, %dma_wait3A_129] : memref<2x320000xi32, #tpu.memory_space<hbm>> -> memref<1x512xi32, #tpu.memory_space<hbm>>
        %dma_wait3A_131 = tpu.memref_squeeze %dma_wait3A_130 : memref<1x512xi32, #tpu.memory_space<hbm>> -> memref<512xi32, #tpu.memory_space<hbm>>
        %dma_wait3A_132 = arith.constant 9984 : i32
        %dma_wait3A_133 = tpu.memref_slice %arg6[%dma_wait3A_132] : memref<10496xi32, #tpu.memory_space<vmem>> -> memref<512xi32, #tpu.memory_space<vmem>>
        %dma_wait3A_134 = arith.constant 319488 : i32
        %dma_wait3A_135 = tpu.memref_slice %arg2[%run_scoped3A_115, %dma_wait3A_134] : memref<2x320000xi32, #tpu.memory_space<hbm>> -> memref<1x512xi32, #tpu.memory_space<hbm>>
        %dma_wait3A_136 = tpu.memref_squeeze %dma_wait3A_135 : memref<1x512xi32, #tpu.memory_space<hbm>> -> memref<512xi32, #tpu.memory_space<hbm>>
        tpu.wait_dma2 semaphore(%run_scoped3A_116 : memref<!tpu.dma_semaphore, #tpu.memory_space<semaphore_mem>>) src(%dma_wait3A_136 : memref<512xi32, #tpu.memory_space<hbm>>) dst(%dma_wait3A_133 : memref<512xi32, #tpu.memory_space<vmem>>)
        tpu.yield
      }) : () -> ()
    } else {
    }
    %broadcast_in_dim3A = arith.constant 0 : i32
    %broadcast_in_dim3A_22 = vector.broadcast %broadcast_in_dim3A : i32 to vector<16xi32>
    %broadcast_in_dim3A_23 = arith.constant 1 : i32
    %broadcast_in_dim3A_24 = vector.broadcast %broadcast_in_dim3A_23 : i32 to vector<16xi32>
    %ne3A = arith.constant 31 : i32
    %ne3A_25 = arith.cmpi ne, %add3A, %ne3A : i32
    %convert_element_type3A_26 = arith.extui %ne3A_25 : i1 to i32
    %cond3A_27 = arith.constant 0 : i32
    %cond3A_28 = arith.cmpi ne, %convert_element_type3A_26, %cond3A_27 : i32
    scf.if %cond3A_28 {
      %broadcast_in_dim3A_115 = arith.constant 10238 : i32
      %broadcast_in_dim3A_116 = vector.broadcast %broadcast_in_dim3A_115 : i32 to vector<16xi32>
      %scan3A_117 = arith.constant 0 : i32
      %scan3A_118 = arith.constant 0 : i32
      %scan3A_119 = arith.constant 32 : i32
      %scan3A_120 = arith.addi %scan3A_118, %scan3A_119 : i32
      %scan3A_121 = arith.constant 1 : i32
      scf.for %scan3A_123 = %scan3A_118 to %scan3A_120 step %scan3A_121  : i32 {
        %mul3A_124 = arith.constant 16 : i32
        %mul3A_125 = arith.muli %scan3A_123, %mul3A_124 : i32
        %add3A_126 = arith.constant 9984 : i32
        %add3A_127 = arith.addi %add3A_126, %mul3A_125 : i32
        %swap3A = arith.index_cast %add3A_127 : i32 to index
        %swap3A_128 = tpu.vector_load %arg5[%swap3A] {strides = array<i32>} : memref<10496xi32, #tpu.memory_space<vmem>>, vector<16xi32>,
        %swap3A_129 = vector.shape_cast %swap3A_128 : vector<16xi32> to vector<16xi32>
        %swap3A_130 = vector.shape_cast %broadcast_in_dim3A_22 : vector<16xi32> to vector<16xi32>
        tpu.vector_store %arg5[%swap3A], %swap3A_130 {strides = array<i32>} : memref<10496xi32, #tpu.memory_space<vmem>>, vector<16xi32>,
        %swap3A_131 = arith.index_cast %add3A_127 : i32 to index
        %swap3A_132 = tpu.vector_load %arg6[%swap3A_131] {strides = array<i32>} : memref<10496xi32, #tpu.memory_space<vmem>>, vector<16xi32>,
        %swap3A_133 = vector.shape_cast %swap3A_132 : vector<16xi32> to vector<16xi32>
        %swap3A_134 = vector.shape_cast %broadcast_in_dim3A_116 : vector<16xi32> to vector<16xi32>
        tpu.vector_store %arg6[%swap3A_131], %swap3A_134 {strides = array<i32>} : memref<10496xi32, #tpu.memory_space<vmem>>, vector<16xi32>,
      }
      %scan3A_122 = arith.constant 32 : i32
    } else {
    }
    %scan3A = arith.constant 0 : i32
    %scan3A_29 = arith.constant 0 : i32
    %scan3A_30 = arith.constant 20 : i32
    %scan3A_31 = arith.addi %scan3A_29, %scan3A_30 : i32
    %scan3A_32 = arith.constant 1 : i32
    scf.for %scan3A_115 = %scan3A_29 to %scan3A_31 step %scan3A_32  : i32 {
      %mul3A_116 = arith.constant 32 : i32
      %mul3A_117 = arith.muli %scan3A_115, %mul3A_116 : i32
      %swap3A = arith.index_cast %mul3A_117 : i32 to index
      %swap3A_118 = tpu.vector_load %arg9[%swap3A] {strides = array<i32>} : memref<640xi32, #tpu.memory_space<vmem>>, vector<16xi32>,
      %swap3A_119 = vector.shape_cast %swap3A_118 : vector<16xi32> to vector<16xi32>
      %swap3A_120 = vector.shape_cast %broadcast_in_dim3A_22 : vector<16xi32> to vector<16xi32>
      tpu.vector_store %arg9[%swap3A], %swap3A_120 {strides = array<i32>} : memref<640xi32, #tpu.memory_space<vmem>>, vector<16xi32>,
      %mul3A_121 = arith.constant 32 : i32
      %mul3A_122 = arith.muli %scan3A_115, %mul3A_121 : i32
      %add3A_123 = arith.constant 16 : i32
      %add3A_124 = arith.addi %mul3A_122, %add3A_123 : i32
      %swap3A_125 = arith.index_cast %add3A_124 : i32 to index
      %swap3A_126 = tpu.vector_load %arg9[%swap3A_125] {strides = array<i32>} : memref<640xi32, #tpu.memory_space<vmem>>, vector<16xi32>,
      %swap3A_127 = vector.shape_cast %swap3A_126 : vector<16xi32> to vector<16xi32>
      %swap3A_128 = vector.shape_cast %broadcast_in_dim3A_22 : vector<16xi32> to vector<16xi32>
      tpu.vector_store %arg9[%swap3A_125], %swap3A_128 {strides = array<i32>} : memref<640xi32, #tpu.memory_space<vmem>>, vector<16xi32>,
    }
    %scan3A_33 = arith.constant 20 : i32
    %mul3A_34 = arith.constant 640 : i32
    %mul3A_35 = arith.muli %arg1, %mul3A_34 : i32
    %dma_start3A_36 = tpu.memref_slice %arg10[%mul3A_35] : memref<10240xi32, #tpu.memory_space<vmem_shared>> -> memref<640xi32, #tpu.memory_space<vmem_shared>>
    %dma_start3A_37 = tpu.memref_slice %arg10[%mul3A_35] : memref<10240xi32, #tpu.memory_space<vmem_shared>> -> memref<640xi32, #tpu.memory_space<vmem_shared>>
    tpu.enqueue_dma source(%arg9 : memref<640xi32, #tpu.memory_space<vmem>>) target(%dma_start3A_37 : memref<640xi32, #tpu.memory_space<vmem_shared>>) target_semaphore(%arg14 : memref<!tpu.dma_semaphore, #tpu.memory_space<semaphore_mem>>)
    %mul3A_38 = arith.constant 640 : i32
    %mul3A_39 = arith.muli %arg1, %mul3A_38 : i32
    %dma_start3A_40 = tpu.memref_slice %arg11[%mul3A_39] : memref<10240xi32, #tpu.memory_space<vmem_shared>> -> memref<640xi32, #tpu.memory_space<vmem_shared>>
    %dma_start3A_41 = tpu.memref_slice %arg11[%mul3A_39] : memref<10240xi32, #tpu.memory_space<vmem_shared>> -> memref<640xi32, #tpu.memory_space<vmem_shared>>
    tpu.enqueue_dma source(%arg9 : memref<640xi32, #tpu.memory_space<vmem>>) target(%dma_start3A_41 : memref<640xi32, #tpu.memory_space<vmem_shared>>) target_semaphore(%arg14 : memref<!tpu.dma_semaphore, #tpu.memory_space<semaphore_mem>>)
    %scan3A_42 = arith.constant 0 : i32
    %scan3A_43 = arith.constant 0 : i32
    %scan3A_44 = arith.constant 164 : i32
    %scan3A_45 = arith.addi %scan3A_43, %scan3A_44 : i32
    %scan3A_46 = arith.constant 1 : i32
    scf.for %scan3A_115 = %scan3A_43 to %scan3A_45 step %scan3A_46  : i32 {
      %mul3A_116 = arith.constant 64 : i32
      %mul3A_117 = arith.muli %scan3A_115, %mul3A_116 : i32
      %add3A_118 = arith.constant 0 : i32
      %add3A_119 = arith.addi %mul3A_117, %add3A_118 : i32
      %swap3A = arith.index_cast %add3A_119 : i32 to index
      %swap3A_120 = tpu.vector_load %arg7[%swap3A] {strides = array<i32>} : memref<10496xi32, #tpu.memory_space<vmem>>, vector<16xi32>,
      %swap3A_121 = vector.shape_cast %swap3A_120 : vector<16xi32> to vector<16xi32>
      %swap3A_122 = vector.shape_cast %broadcast_in_dim3A_24 : vector<16xi32> to vector<16xi32>
      tpu.vector_store %arg7[%swap3A], %swap3A_122 {strides = array<i32>} : memref<10496xi32, #tpu.memory_space<vmem>>, vector<16xi32>,
      %mul3A_123 = arith.constant 64 : i32
      %mul3A_124 = arith.muli %scan3A_115, %mul3A_123 : i32
      %add3A_125 = arith.constant 16 : i32
      %add3A_126 = arith.addi %mul3A_124, %add3A_125 : i32
      %swap3A_127 = arith.index_cast %add3A_126 : i32 to index
      %swap3A_128 = tpu.vector_load %arg7[%swap3A_127] {strides = array<i32>} : memref<10496xi32, #tpu.memory_space<vmem>>, vector<16xi32>,
      %swap3A_129 = vector.shape_cast %swap3A_128 : vector<16xi32> to vector<16xi32>
      %swap3A_130 = vector.shape_cast %broadcast_in_dim3A_24 : vector<16xi32> to vector<16xi32>
      tpu.vector_store %arg7[%swap3A_127], %swap3A_130 {strides = array<i32>} : memref<10496xi32, #tpu.memory_space<vmem>>, vector<16xi32>,
      %mul3A_131 = arith.constant 64 : i32
      %mul3A_132 = arith.muli %scan3A_115, %mul3A_131 : i32
      %add3A_133 = arith.constant 32 : i32
      %add3A_134 = arith.addi %mul3A_132, %add3A_133 : i32
      %swap3A_135 = arith.index_cast %add3A_134 : i32 to index
      %swap3A_136 = tpu.vector_load %arg7[%swap3A_135] {strides = array<i32>} : memref<10496xi32, #tpu.memory_space<vmem>>, vector<16xi32>,
      %swap3A_137 = vector.shape_cast %swap3A_136 : vector<16xi32> to vector<16xi32>
      %swap3A_138 = vector.shape_cast %broadcast_in_dim3A_24 : vector<16xi32> to vector<16xi32>
      tpu.vector_store %arg7[%swap3A_135], %swap3A_138 {strides = array<i32>} : memref<10496xi32, #tpu.memory_space<vmem>>, vector<16xi32>,
      %mul3A_139 = arith.constant 64 : i32
      %mul3A_140 = arith.muli %scan3A_115, %mul3A_139 : i32
      %add3A_141 = arith.constant 48 : i32
      %add3A_142 = arith.addi %mul3A_140, %add3A_141 : i32
      %swap3A_143 = arith.index_cast %add3A_142 : i32 to index
      %swap3A_144 = tpu.vector_load %arg7[%swap3A_143] {strides = array<i32>} : memref<10496xi32, #tpu.memory_space<vmem>>, vector<16xi32>,
      %swap3A_145 = vector.shape_cast %swap3A_144 : vector<16xi32> to vector<16xi32>
      %swap3A_146 = vector.shape_cast %broadcast_in_dim3A_24 : vector<16xi32> to vector<16xi32>
      tpu.vector_store %arg7[%swap3A_143], %swap3A_146 {strides = array<i32>} : memref<10496xi32, #tpu.memory_space<vmem>>, vector<16xi32>,
    }
    %scan3A_47 = arith.constant 164 : i32
    %dma_wait3A = tpu.memref_slice %arg10[%mul3A_35] : memref<10240xi32, #tpu.memory_space<vmem_shared>> -> memref<640xi32, #tpu.memory_space<vmem_shared>>
    %dma_wait3A_48 = tpu.memref_slice %arg10[%mul3A_35] : memref<10240xi32, #tpu.memory_space<vmem_shared>> -> memref<640xi32, #tpu.memory_space<vmem_shared>>
    tpu.wait_dma2 semaphore(%arg14 : memref<!tpu.dma_semaphore, #tpu.memory_space<semaphore_mem>>) src(%arg9 : memref<640xi32, #tpu.memory_space<vmem>>) dst(%dma_wait3A_48 : memref<640xi32, #tpu.memory_space<vmem_shared>>)
    %dma_wait3A_49 = tpu.memref_slice %arg11[%mul3A_39] : memref<10240xi32, #tpu.memory_space<vmem_shared>> -> memref<640xi32, #tpu.memory_space<vmem_shared>>
    %dma_wait3A_50 = tpu.memref_slice %arg11[%mul3A_39] : memref<10240xi32, #tpu.memory_space<vmem_shared>> -> memref<640xi32, #tpu.memory_space<vmem_shared>>
    tpu.wait_dma2 semaphore(%arg14 : memref<!tpu.dma_semaphore, #tpu.memory_space<semaphore_mem>>) src(%arg9 : memref<640xi32, #tpu.memory_space<vmem>>) dst(%dma_wait3A_50 : memref<640xi32, #tpu.memory_space<vmem_shared>>)
    %dma_wait3A_51 = arith.constant 1 : i32
    %dma_wait3A_52 = arith.constant 0 : i32
    %dma_wait3A_53 = tpu.memref_slice %arg6[%dma_wait3A_52] : memref<10496xi32, #tpu.memory_space<vmem>> -> memref<9984xi32, #tpu.memory_space<vmem>>
    %dma_wait3A_54 = tpu.memref_slice %arg2[%dma_wait3A_51, %mul3A_2] : memref<2x320000xi32, #tpu.memory_space<hbm>> -> memref<1x9984xi32, #tpu.memory_space<hbm>>
    %dma_wait3A_55 = tpu.memref_squeeze %dma_wait3A_54 : memref<1x9984xi32, #tpu.memory_space<hbm>> -> memref<9984xi32, #tpu.memory_space<hbm>>
    %dma_wait3A_56 = arith.constant 0 : i32
    %dma_wait3A_57 = tpu.memref_slice %arg6[%dma_wait3A_56] : memref<10496xi32, #tpu.memory_space<vmem>> -> memref<9984xi32, #tpu.memory_space<vmem>>
    %dma_wait3A_58 = tpu.memref_slice %arg2[%dma_wait3A_51, %mul3A_2] : memref<2x320000xi32, #tpu.memory_space<hbm>> -> memref<1x9984xi32, #tpu.memory_space<hbm>>
    %dma_wait3A_59 = tpu.memref_squeeze %dma_wait3A_58 : memref<1x9984xi32, #tpu.memory_space<hbm>> -> memref<9984xi32, #tpu.memory_space<hbm>>
    tpu.wait_dma2 semaphore(%arg13 : memref<!tpu.dma_semaphore, #tpu.memory_space<semaphore_mem>>) src(%dma_wait3A_59 : memref<9984xi32, #tpu.memory_space<hbm>>) dst(%dma_wait3A_57 : memref<9984xi32, #tpu.memory_space<vmem>>)
    %barrier3A = arith.constant 0 : index
    tpu.barrier barrier_id(%barrier3A)
    %dma_start3A_60 = arith.constant 0 : i32
    %dma_start3A_61 = tpu.memref_slice %arg10[%dma_start3A_60] : memref<10240xi32, #tpu.memory_space<vmem_shared>> -> memref<10240xi32, #tpu.memory_space<vmem_shared>>
    tpu.enqueue_indirect_dma source(%arg7 : memref<10496xi32, #tpu.memory_space<vmem>>) target(%dma_start3A_61 : memref<10240xi32, #tpu.memory_space<vmem_shared>>) offsets(%arg6 : memref<10496xi32, #tpu.memory_space<vmem>>) semaphore(%arg13 : memref<!tpu.dma_semaphore, #tpu.memory_space<semaphore_mem>>) {add = true}
    %scan3A_62 = arith.constant 0 : i32
    %scan3A_63 = arith.constant 0 : i32
    %scan3A_64 = arith.constant 82 : i32
    %scan3A_65 = arith.addi %scan3A_63, %scan3A_64 : i32
    %scan3A_66 = arith.constant 1 : i32
    scf.for %scan3A_115 = %scan3A_63 to %scan3A_65 step %scan3A_66  : i32 {
      %mul3A_116 = arith.constant 64 : i32
      %mul3A_117 = arith.muli %scan3A_115, %mul3A_116 : i32
      %add3A_118 = arith.constant 0 : i32
      %add3A_119 = arith.addi %mul3A_117, %add3A_118 : i32
      %get3A = arith.index_cast %add3A_119 : i32 to index
      %get3A_120 = tpu.vector_load %arg6[%get3A] {strides = array<i32>} : memref<10496xi32, #tpu.memory_space<vmem>>, vector<16xi32>,
      %get3A_121 = vector.shape_cast %get3A_120 : vector<16xi32> to vector<16xi32>
      %eq3A_122 = arith.constant 0 : i32
      %eq3A_123 = vector.broadcast %eq3A_122 : i32 to vector<16xi32>
      %eq3A_124 = arith.cmpi eq, %get3A_121, %eq3A_123 : vector<16xi32>
      %jit3A = arith.constant 1 : i32
      %jit3A_125 = arith.constant 0 : i32
      %broadcast_in_dim3A_126 = vector.broadcast %jit3A : i32 to vector<16xi32>
      %broadcast_in_dim3A_127 = vector.broadcast %jit3A_125 : i32 to vector<16xi32>
      %select_n3A = arith.select %eq3A_124, %broadcast_in_dim3A_126, %broadcast_in_dim3A_127 : vector<16xi1>, vector<16xi32>
      %swap3A = arith.index_cast %add3A_119 : i32 to index
      %swap3A_128 = tpu.vector_load %arg8[%swap3A] {strides = array<i32>} : memref<10496xi32, #tpu.memory_space<vmem>>, vector<16xi32>,
      %swap3A_129 = vector.shape_cast %swap3A_128 : vector<16xi32> to vector<16xi32>
      %swap3A_130 = vector.shape_cast %select_n3A : vector<16xi32> to vector<16xi32>
      tpu.vector_store %arg8[%swap3A], %swap3A_130 {strides = array<i32>} : memref<10496xi32, #tpu.memory_space<vmem>>, vector<16xi32>,
      %mul3A_131 = arith.constant 64 : i32
      %mul3A_132 = arith.muli %scan3A_115, %mul3A_131 : i32
      %add3A_133 = arith.constant 16 : i32
      %add3A_134 = arith.addi %mul3A_132, %add3A_133 : i32
      %get3A_135 = arith.index_cast %add3A_134 : i32 to index
      %get3A_136 = tpu.vector_load %arg6[%get3A_135] {strides = array<i32>} : memref<10496xi32, #tpu.memory_space<vmem>>, vector<16xi32>,
      %get3A_137 = vector.shape_cast %get3A_136 : vector<16xi32> to vector<16xi32>
      %eq3A_138 = arith.constant 0 : i32
      %eq3A_139 = vector.broadcast %eq3A_138 : i32 to vector<16xi32>
      %eq3A_140 = arith.cmpi eq, %get3A_137, %eq3A_139 : vector<16xi32>
      %jit3A_141 = arith.constant 1 : i32
      %jit3A_142 = arith.constant 0 : i32
      %broadcast_in_dim3A_143 = vector.broadcast %jit3A_141 : i32 to vector<16xi32>
      %broadcast_in_dim3A_144 = vector.broadcast %jit3A_142 : i32 to vector<16xi32>
      %select_n3A_145 = arith.select %eq3A_140, %broadcast_in_dim3A_143, %broadcast_in_dim3A_144 : vector<16xi1>, vector<16xi32>
      %swap3A_146 = arith.index_cast %add3A_134 : i32 to index
      %swap3A_147 = tpu.vector_load %arg8[%swap3A_146] {strides = array<i32>} : memref<10496xi32, #tpu.memory_space<vmem>>, vector<16xi32>,
      %swap3A_148 = vector.shape_cast %swap3A_147 : vector<16xi32> to vector<16xi32>
      %swap3A_149 = vector.shape_cast %select_n3A_145 : vector<16xi32> to vector<16xi32>
      tpu.vector_store %arg8[%swap3A_146], %swap3A_149 {strides = array<i32>} : memref<10496xi32, #tpu.memory_space<vmem>>, vector<16xi32>,
      %mul3A_150 = arith.constant 64 : i32
      %mul3A_151 = arith.muli %scan3A_115, %mul3A_150 : i32
      %add3A_152 = arith.constant 32 : i32
      %add3A_153 = arith.addi %mul3A_151, %add3A_152 : i32
      %get3A_154 = arith.index_cast %add3A_153 : i32 to index
      %get3A_155 = tpu.vector_load %arg6[%get3A_154] {strides = array<i32>} : memref<10496xi32, #tpu.memory_space<vmem>>, vector<16xi32>,
      %get3A_156 = vector.shape_cast %get3A_155 : vector<16xi32> to vector<16xi32>
      %eq3A_157 = arith.constant 0 : i32
      %eq3A_158 = vector.broadcast %eq3A_157 : i32 to vector<16xi32>
      %eq3A_159 = arith.cmpi eq, %get3A_156, %eq3A_158 : vector<16xi32>
      %jit3A_160 = arith.constant 1 : i32
      %jit3A_161 = arith.constant 0 : i32
      %broadcast_in_dim3A_162 = vector.broadcast %jit3A_160 : i32 to vector<16xi32>
      %broadcast_in_dim3A_163 = vector.broadcast %jit3A_161 : i32 to vector<16xi32>
      %select_n3A_164 = arith.select %eq3A_159, %broadcast_in_dim3A_162, %broadcast_in_dim3A_163 : vector<16xi1>, vector<16xi32>
      %swap3A_165 = arith.index_cast %add3A_153 : i32 to index
      %swap3A_166 = tpu.vector_load %arg8[%swap3A_165] {strides = array<i32>} : memref<10496xi32, #tpu.memory_space<vmem>>, vector<16xi32>,
      %swap3A_167 = vector.shape_cast %swap3A_166 : vector<16xi32> to vector<16xi32>
      %swap3A_168 = vector.shape_cast %select_n3A_164 : vector<16xi32> to vector<16xi32>
      tpu.vector_store %arg8[%swap3A_165], %swap3A_168 {strides = array<i32>} : memref<10496xi32, #tpu.memory_space<vmem>>, vector<16xi32>,
      %mul3A_169 = arith.constant 64 : i32
      %mul3A_170 = arith.muli %scan3A_115, %mul3A_169 : i32
      %add3A_171 = arith.constant 48 : i32
      %add3A_172 = arith.addi %mul3A_170, %add3A_171 : i32
      %get3A_173 = arith.index_cast %add3A_172 : i32 to index
      %get3A_174 = tpu.vector_load %arg6[%get3A_173] {strides = array<i32>} : memref<10496xi32, #tpu.memory_space<vmem>>, vector<16xi32>,
      %get3A_175 = vector.shape_cast %get3A_174 : vector<16xi32> to vector<16xi32>
      %eq3A_176 = arith.constant 0 : i32
      %eq3A_177 = vector.broadcast %eq3A_176 : i32 to vector<16xi32>
      %eq3A_178 = arith.cmpi eq, %get3A_175, %eq3A_177 : vector<16xi32>
      %jit3A_179 = arith.constant 1 : i32
      %jit3A_180 = arith.constant 0 : i32
      %broadcast_in_dim3A_181 = vector.broadcast %jit3A_179 : i32 to vector<16xi32>
      %broadcast_in_dim3A_182 = vector.broadcast %jit3A_180 : i32 to vector<16xi32>
      %select_n3A_183 = arith.select %eq3A_178, %broadcast_in_dim3A_181, %broadcast_in_dim3A_182 : vector<16xi1>, vector<16xi32>
      %swap3A_184 = arith.index_cast %add3A_172 : i32 to index
      %swap3A_185 = tpu.vector_load %arg8[%swap3A_184] {strides = array<i32>} : memref<10496xi32, #tpu.memory_space<vmem>>, vector<16xi32>,
      %swap3A_186 = vector.shape_cast %swap3A_185 : vector<16xi32> to vector<16xi32>
      %swap3A_187 = vector.shape_cast %select_n3A_183 : vector<16xi32> to vector<16xi32>
      tpu.vector_store %arg8[%swap3A_184], %swap3A_187 {strides = array<i32>} : memref<10496xi32, #tpu.memory_space<vmem>>, vector<16xi32>,
    }
    %scan3A_67 = arith.constant 82 : i32
    %dma_wait3A_68 = arith.constant 0 : i32
    %dma_wait3A_69 = arith.constant 0 : i32
    %dma_wait3A_70 = tpu.memref_slice %arg5[%dma_wait3A_69] : memref<10496xi32, #tpu.memory_space<vmem>> -> memref<9984xi32, #tpu.memory_space<vmem>>
    %dma_wait3A_71 = tpu.memref_slice %arg2[%dma_wait3A_68, %mul3A_2] : memref<2x320000xi32, #tpu.memory_space<hbm>> -> memref<1x9984xi32, #tpu.memory_space<hbm>>
    %dma_wait3A_72 = tpu.memref_squeeze %dma_wait3A_71 : memref<1x9984xi32, #tpu.memory_space<hbm>> -> memref<9984xi32, #tpu.memory_space<hbm>>
    %dma_wait3A_73 = arith.constant 0 : i32
    %dma_wait3A_74 = tpu.memref_slice %arg5[%dma_wait3A_73] : memref<10496xi32, #tpu.memory_space<vmem>> -> memref<9984xi32, #tpu.memory_space<vmem>>
    %dma_wait3A_75 = tpu.memref_slice %arg2[%dma_wait3A_68, %mul3A_2] : memref<2x320000xi32, #tpu.memory_space<hbm>> -> memref<1x9984xi32, #tpu.memory_space<hbm>>
    %dma_wait3A_76 = tpu.memref_squeeze %dma_wait3A_75 : memref<1x9984xi32, #tpu.memory_space<hbm>> -> memref<9984xi32, #tpu.memory_space<hbm>>
    tpu.wait_dma2 semaphore(%arg12 : memref<!tpu.dma_semaphore, #tpu.memory_space<semaphore_mem>>) src(%dma_wait3A_76 : memref<9984xi32, #tpu.memory_space<hbm>>) dst(%dma_wait3A_74 : memref<9984xi32, #tpu.memory_space<vmem>>)
    %dma_start3A_77 = arith.constant 0 : i32
    %dma_start3A_78 = tpu.memref_slice %arg8[%dma_start3A_77] : memref<10496xi32, #tpu.memory_space<vmem>> -> memref<5248xi32, #tpu.memory_space<vmem>>
    %dma_start3A_79 = arith.constant 0 : i32
    %dma_start3A_80 = tpu.memref_slice %arg5[%dma_start3A_79] : memref<10496xi32, #tpu.memory_space<vmem>> -> memref<5248xi32, #tpu.memory_space<vmem>>
    %dma_start3A_81 = arith.constant 0 : i32
    %dma_start3A_82 = tpu.memref_slice %arg11[%dma_start3A_81] : memref<10240xi32, #tpu.memory_space<vmem_shared>> -> memref<10240xi32, #tpu.memory_space<vmem_shared>>
    tpu.enqueue_indirect_dma source(%dma_start3A_78 : memref<5248xi32, #tpu.memory_space<vmem>>) target(%dma_start3A_82 : memref<10240xi32, #tpu.memory_space<vmem_shared>>) offsets(%dma_start3A_80 : memref<5248xi32, #tpu.memory_space<vmem>>) semaphore(%arg12 : memref<!tpu.dma_semaphore, #tpu.memory_space<semaphore_mem>>) {add = true}
    %scan3A_83 = arith.constant 0 : i32
    %scan3A_84 = arith.constant 82 : i32
    %scan3A_85 = arith.constant 82 : i32
    %scan3A_86 = arith.addi %scan3A_84, %scan3A_85 : i32
    %scan3A_87 = arith.constant 1 : i32
    scf.for %scan3A_115 = %scan3A_84 to %scan3A_86 step %scan3A_87  : i32 {
      %mul3A_116 = arith.constant 64 : i32
      %mul3A_117 = arith.muli %scan3A_115, %mul3A_116 : i32
      %add3A_118 = arith.constant 0 : i32
      %add3A_119 = arith.addi %mul3A_117, %add3A_118 : i32
      %get3A = arith.index_cast %add3A_119 : i32 to index
      %get3A_120 = tpu.vector_load %arg6[%get3A] {strides = array<i32>} : memref<10496xi32, #tpu.memory_space<vmem>>, vector<16xi32>,
      %get3A_121 = vector.shape_cast %get3A_120 : vector<16xi32> to vector<16xi32>
      %eq3A_122 = arith.constant 0 : i32
      %eq3A_123 = vector.broadcast %eq3A_122 : i32 to vector<16xi32>
      %eq3A_124 = arith.cmpi eq, %get3A_121, %eq3A_123 : vector<16xi32>
      %jit3A = arith.constant 1 : i32
      %jit3A_125 = arith.constant 0 : i32
      %broadcast_in_dim3A_126 = vector.broadcast %jit3A : i32 to vector<16xi32>
      %broadcast_in_dim3A_127 = vector.broadcast %jit3A_125 : i32 to vector<16xi32>
      %select_n3A = arith.select %eq3A_124, %broadcast_in_dim3A_126, %broadcast_in_dim3A_127 : vector<16xi1>, vector<16xi32>
      %swap3A = arith.index_cast %add3A_119 : i32 to index
      %swap3A_128 = tpu.vector_load %arg8[%swap3A] {strides = array<i32>} : memref<10496xi32, #tpu.memory_space<vmem>>, vector<16xi32>,
      %swap3A_129 = vector.shape_cast %swap3A_128 : vector<16xi32> to vector<16xi32>
      %swap3A_130 = vector.shape_cast %select_n3A : vector<16xi32> to vector<16xi32>
      tpu.vector_store %arg8[%swap3A], %swap3A_130 {strides = array<i32>} : memref<10496xi32, #tpu.memory_space<vmem>>, vector<16xi32>,
      %mul3A_131 = arith.constant 64 : i32
      %mul3A_132 = arith.muli %scan3A_115, %mul3A_131 : i32
      %add3A_133 = arith.constant 16 : i32
      %add3A_134 = arith.addi %mul3A_132, %add3A_133 : i32
      %get3A_135 = arith.index_cast %add3A_134 : i32 to index
      %get3A_136 = tpu.vector_load %arg6[%get3A_135] {strides = array<i32>} : memref<10496xi32, #tpu.memory_space<vmem>>, vector<16xi32>,
      %get3A_137 = vector.shape_cast %get3A_136 : vector<16xi32> to vector<16xi32>
      %eq3A_138 = arith.constant 0 : i32
      %eq3A_139 = vector.broadcast %eq3A_138 : i32 to vector<16xi32>
      %eq3A_140 = arith.cmpi eq, %get3A_137, %eq3A_139 : vector<16xi32>
      %jit3A_141 = arith.constant 1 : i32
      %jit3A_142 = arith.constant 0 : i32
      %broadcast_in_dim3A_143 = vector.broadcast %jit3A_141 : i32 to vector<16xi32>
      %broadcast_in_dim3A_144 = vector.broadcast %jit3A_142 : i32 to vector<16xi32>
      %select_n3A_145 = arith.select %eq3A_140, %broadcast_in_dim3A_143, %broadcast_in_dim3A_144 : vector<16xi1>, vector<16xi32>
      %swap3A_146 = arith.index_cast %add3A_134 : i32 to index
      %swap3A_147 = tpu.vector_load %arg8[%swap3A_146] {strides = array<i32>} : memref<10496xi32, #tpu.memory_space<vmem>>, vector<16xi32>,
      %swap3A_148 = vector.shape_cast %swap3A_147 : vector<16xi32> to vector<16xi32>
      %swap3A_149 = vector.shape_cast %select_n3A_145 : vector<16xi32> to vector<16xi32>
      tpu.vector_store %arg8[%swap3A_146], %swap3A_149 {strides = array<i32>} : memref<10496xi32, #tpu.memory_space<vmem>>, vector<16xi32>,
      %mul3A_150 = arith.constant 64 : i32
      %mul3A_151 = arith.muli %scan3A_115, %mul3A_150 : i32
      %add3A_152 = arith.constant 32 : i32
      %add3A_153 = arith.addi %mul3A_151, %add3A_152 : i32
      %get3A_154 = arith.index_cast %add3A_153 : i32 to index
      %get3A_155 = tpu.vector_load %arg6[%get3A_154] {strides = array<i32>} : memref<10496xi32, #tpu.memory_space<vmem>>, vector<16xi32>,
      %get3A_156 = vector.shape_cast %get3A_155 : vector<16xi32> to vector<16xi32>
      %eq3A_157 = arith.constant 0 : i32
      %eq3A_158 = vector.broadcast %eq3A_157 : i32 to vector<16xi32>
      %eq3A_159 = arith.cmpi eq, %get3A_156, %eq3A_158 : vector<16xi32>
      %jit3A_160 = arith.constant 1 : i32
      %jit3A_161 = arith.constant 0 : i32
      %broadcast_in_dim3A_162 = vector.broadcast %jit3A_160 : i32 to vector<16xi32>
      %broadcast_in_dim3A_163 = vector.broadcast %jit3A_161 : i32 to vector<16xi32>
      %select_n3A_164 = arith.select %eq3A_159, %broadcast_in_dim3A_162, %broadcast_in_dim3A_163 : vector<16xi1>, vector<16xi32>
      %swap3A_165 = arith.index_cast %add3A_153 : i32 to index
      %swap3A_166 = tpu.vector_load %arg8[%swap3A_165] {strides = array<i32>} : memref<10496xi32, #tpu.memory_space<vmem>>, vector<16xi32>,
      %swap3A_167 = vector.shape_cast %swap3A_166 : vector<16xi32> to vector<16xi32>
      %swap3A_168 = vector.shape_cast %select_n3A_164 : vector<16xi32> to vector<16xi32>
      tpu.vector_store %arg8[%swap3A_165], %swap3A_168 {strides = array<i32>} : memref<10496xi32, #tpu.memory_space<vmem>>, vector<16xi32>,
      %mul3A_169 = arith.constant 64 : i32
      %mul3A_170 = arith.muli %scan3A_115, %mul3A_169 : i32
      %add3A_171 = arith.constant 48 : i32
      %add3A_172 = arith.addi %mul3A_170, %add3A_171 : i32
      %get3A_173 = arith.index_cast %add3A_172 : i32 to index
      %get3A_174 = tpu.vector_load %arg6[%get3A_173] {strides = array<i32>} : memref<10496xi32, #tpu.memory_space<vmem>>, vector<16xi32>,
      %get3A_175 = vector.shape_cast %get3A_174 : vector<16xi32> to vector<16xi32>
      %eq3A_176 = arith.constant 0 : i32
      %eq3A_177 = vector.broadcast %eq3A_176 : i32 to vector<16xi32>
      %eq3A_178 = arith.cmpi eq, %get3A_175, %eq3A_177 : vector<16xi32>
      %jit3A_179 = arith.constant 1 : i32
      %jit3A_180 = arith.constant 0 : i32
      %broadcast_in_dim3A_181 = vector.broadcast %jit3A_179 : i32 to vector<16xi32>
      %broadcast_in_dim3A_182 = vector.broadcast %jit3A_180 : i32 to vector<16xi32>
      %select_n3A_183 = arith.select %eq3A_178, %broadcast_in_dim3A_181, %broadcast_in_dim3A_182 : vector<16xi1>, vector<16xi32>
      %swap3A_184 = arith.index_cast %add3A_172 : i32 to index
      %swap3A_185 = tpu.vector_load %arg8[%swap3A_184] {strides = array<i32>} : memref<10496xi32, #tpu.memory_space<vmem>>, vector<16xi32>,
      %swap3A_186 = vector.shape_cast %swap3A_185 : vector<16xi32> to vector<16xi32>
      %swap3A_187 = vector.shape_cast %select_n3A_183 : vector<16xi32> to vector<16xi32>
      tpu.vector_store %arg8[%swap3A_184], %swap3A_187 {strides = array<i32>} : memref<10496xi32, #tpu.memory_space<vmem>>, vector<16xi32>,
    }
    %scan3A_88 = arith.constant 82 : i32
    %dma_start3A_89 = arith.constant 5248 : i32
    %dma_start3A_90 = tpu.memref_slice %arg8[%dma_start3A_89] : memref<10496xi32, #tpu.memory_space<vmem>> -> memref<5248xi32, #tpu.memory_space<vmem>>
    %dma_start3A_91 = arith.constant 5248 : i32
    %dma_start3A_92 = tpu.memref_slice %arg5[%dma_start3A_91] : memref<10496xi32, #tpu.memory_space<vmem>> -> memref<5248xi32, #tpu.memory_space<vmem>>
    %dma_start3A_93 = arith.constant 0 : i32
    %dma_start3A_94 = tpu.memref_slice %arg11[%dma_start3A_93] : memref<10240xi32, #tpu.memory_space<vmem_shared>> -> memref<10240xi32, #tpu.memory_space<vmem_shared>>
    tpu.enqueue_indirect_dma source(%dma_start3A_90 : memref<5248xi32, #tpu.memory_space<vmem>>) target(%dma_start3A_94 : memref<10240xi32, #tpu.memory_space<vmem_shared>>) offsets(%dma_start3A_92 : memref<5248xi32, #tpu.memory_space<vmem>>) semaphore(%arg12 : memref<!tpu.dma_semaphore, #tpu.memory_space<semaphore_mem>>) {add = true}
    %dma_wait3A_95 = arith.constant 0 : i32
    %dma_wait3A_96 = tpu.memref_slice %arg10[%dma_wait3A_95] : memref<10240xi32, #tpu.memory_space<vmem_shared>> -> memref<10240xi32, #tpu.memory_space<vmem_shared>>
    tpu.wait_indirect_dma semaphore(%arg13 : memref<!tpu.dma_semaphore, #tpu.memory_space<semaphore_mem>>) src(%arg7 : memref<10496xi32, #tpu.memory_space<vmem>>) dst(%dma_wait3A_96 : memref<10240xi32, #tpu.memory_space<vmem_shared>>)
    %dma_wait3A_97 = arith.constant 0 : i32
    %dma_wait3A_98 = tpu.memref_slice %arg8[%dma_wait3A_97] : memref<10496xi32, #tpu.memory_space<vmem>> -> memref<5248xi32, #tpu.memory_space<vmem>>
    %dma_wait3A_99 = arith.constant 0 : i32
    %dma_wait3A_100 = tpu.memref_slice %arg5[%dma_wait3A_99] : memref<10496xi32, #tpu.memory_space<vmem>> -> memref<5248xi32, #tpu.memory_space<vmem>>
    %dma_wait3A_101 = arith.constant 0 : i32
    %dma_wait3A_102 = tpu.memref_slice %arg11[%dma_wait3A_101] : memref<10240xi32, #tpu.memory_space<vmem_shared>> -> memref<10240xi32, #tpu.memory_space<vmem_shared>>
    tpu.wait_indirect_dma semaphore(%arg12 : memref<!tpu.dma_semaphore, #tpu.memory_space<semaphore_mem>>) src(%dma_wait3A_98 : memref<5248xi32, #tpu.memory_space<vmem>>) dst(%dma_wait3A_102 : memref<10240xi32, #tpu.memory_space<vmem_shared>>)
    %dma_wait3A_103 = arith.constant 5248 : i32
    %dma_wait3A_104 = tpu.memref_slice %arg8[%dma_wait3A_103] : memref<10496xi32, #tpu.memory_space<vmem>> -> memref<5248xi32, #tpu.memory_space<vmem>>
    %dma_wait3A_105 = arith.constant 5248 : i32
    %dma_wait3A_106 = tpu.memref_slice %arg5[%dma_wait3A_105] : memref<10496xi32, #tpu.memory_space<vmem>> -> memref<5248xi32, #tpu.memory_space<vmem>>
    %dma_wait3A_107 = arith.constant 0 : i32
    %dma_wait3A_108 = tpu.memref_slice %arg11[%dma_wait3A_107] : memref<10240xi32, #tpu.memory_space<vmem_shared>> -> memref<10240xi32, #tpu.memory_space<vmem_shared>>
    tpu.wait_indirect_dma semaphore(%arg12 : memref<!tpu.dma_semaphore, #tpu.memory_space<semaphore_mem>>) src(%dma_wait3A_104 : memref<5248xi32, #tpu.memory_space<vmem>>) dst(%dma_wait3A_108 : memref<10240xi32, #tpu.memory_space<vmem_shared>>)
    %barrier3A_109 = arith.constant 0 : index
    tpu.barrier barrier_id(%barrier3A_109)
    %eq3A_110 = arith.constant 0 : i32
    %eq3A_111 = arith.cmpi eq, %arg1, %eq3A_110 : i32
    %convert_element_type3A_112 = arith.extui %eq3A_111 : i1 to i32
    %cond3A_113 = arith.constant 0 : i32
    %cond3A_114 = arith.cmpi ne, %convert_element_type3A_112, %cond3A_113 : i32
    scf.if %cond3A_114 {
      "tpu.region"() ({
        %run_scoped3A = tpu.sem_alloc : memref<!tpu.dma_semaphore, #tpu.memory_space<semaphore_mem>>
        %dma_start3A_115 = arith.constant 0 : i32
        %dma_start3A_116 = tpu.memref_slice %arg3[%arg0, %dma_start3A_115] : memref<2x10240xi32, #tpu.memory_space<hbm>> -> memref<1x10240xi32, #tpu.memory_space<hbm>>
        %dma_start3A_117 = tpu.memref_squeeze %dma_start3A_116 : memref<1x10240xi32, #tpu.memory_space<hbm>> -> memref<10240xi32, #tpu.memory_space<hbm>>
        tpu.enqueue_dma source(%arg10 : memref<10240xi32, #tpu.memory_space<vmem_shared>>) target(%dma_start3A_117 : memref<10240xi32, #tpu.memory_space<hbm>>) target_semaphore(%run_scoped3A : memref<!tpu.dma_semaphore, #tpu.memory_space<semaphore_mem>>)
        %dma_wait3A_118 = arith.constant 0 : i32
        %dma_wait3A_119 = tpu.memref_slice %arg3[%arg0, %dma_wait3A_118] : memref<2x10240xi32, #tpu.memory_space<hbm>> -> memref<1x10240xi32, #tpu.memory_space<hbm>>
        %dma_wait3A_120 = tpu.memref_squeeze %dma_wait3A_119 : memref<1x10240xi32, #tpu.memory_space<hbm>> -> memref<10240xi32, #tpu.memory_space<hbm>>
        tpu.wait_dma2 semaphore(%run_scoped3A : memref<!tpu.dma_semaphore, #tpu.memory_space<semaphore_mem>>) src(%arg10 : memref<10240xi32, #tpu.memory_space<vmem_shared>>) dst(%dma_wait3A_120 : memref<10240xi32, #tpu.memory_space<hbm>>)
        tpu.yield
      }) : () -> ()
      "tpu.region"() ({
        %run_scoped3A = tpu.sem_alloc : memref<!tpu.dma_semaphore, #tpu.memory_space<semaphore_mem>>
        %dma_start3A_115 = arith.constant 0 : i32
        %dma_start3A_116 = tpu.memref_slice %arg4[%arg0, %dma_start3A_115] : memref<2x10240xi32, #tpu.memory_space<hbm>> -> memref<1x10240xi32, #tpu.memory_space<hbm>>
        %dma_start3A_117 = tpu.memref_squeeze %dma_start3A_116 : memref<1x10240xi32, #tpu.memory_space<hbm>> -> memref<10240xi32, #tpu.memory_space<hbm>>
        tpu.enqueue_dma source(%arg11 : memref<10240xi32, #tpu.memory_space<vmem_shared>>) target(%dma_start3A_117 : memref<10240xi32, #tpu.memory_space<hbm>>) target_semaphore(%run_scoped3A : memref<!tpu.dma_semaphore, #tpu.memory_space<semaphore_mem>>)
        %dma_wait3A_118 = arith.constant 0 : i32
        %dma_wait3A_119 = tpu.memref_slice %arg4[%arg0, %dma_wait3A_118] : memref<2x10240xi32, #tpu.memory_space<hbm>> -> memref<1x10240xi32, #tpu.memory_space<hbm>>
        %dma_wait3A_120 = tpu.memref_squeeze %dma_wait3A_119 : memref<1x10240xi32, #tpu.memory_space<hbm>> -> memref<10240xi32, #tpu.memory_space<hbm>>
        tpu.wait_dma2 semaphore(%run_scoped3A : memref<!tpu.dma_semaphore, #tpu.memory_space<semaphore_mem>>) src(%arg11 : memref<10240xi32, #tpu.memory_space<vmem_shared>>) dst(%dma_wait3A_120 : memref<10240xi32, #tpu.memory_space<hbm>>)
        tpu.yield
      }) : () -> ()
    } else {
    }
    return
  }
}

module attributes {stable_mosaic.version = 14 : i64} {
  func.func @body(%arg0: memref<2x10240xi32, #tpu.memory_space<vmem>>, %arg1: memref<2x10240xi32, #tpu.memory_space<vmem>>, %arg2: memref<2x128xf32, #tpu.memory_space<vmem>>, %arg3: memref<128x128xf32, #tpu.memory_space<vmem>>, %arg4: memref<1x128xf32, #tpu.memory_space<vmem>>, %arg5: memref<128x128xf32, #tpu.memory_space<vmem>>, %arg6: memref<1x128xf32, #tpu.memory_space<vmem>>, %arg7: memref<128x1xf32, #tpu.memory_space<vmem>>, %arg8: memref<1x1xf32, #tpu.memory_space<vmem>>, %arg9: memref<2x1xf32, #tpu.memory_space<vmem>>) attributes {dimension_semantics = [], scalar_prefetch = 0 : i64, scratch_operands = 0 : i64, tpu.core_type = #tpu.core_type<tc>} {
    %get3A = arith.constant 0 : index
    %get3A_0 = arith.constant 0 : index
    %get3A_1 = vector.load %arg2[%get3A, %get3A_0] : memref<2x128xf32, #tpu.memory_space<vmem>>, vector<2x128xf32>
    %get3A_2 = arith.constant 0 : index
    %get3A_3 = arith.constant 0 : index
    %get3A_4 = vector.load %arg3[%get3A_2, %get3A_3] : memref<128x128xf32, #tpu.memory_space<vmem>>, vector<128x128xf32>
    %dot_general3A = arith.constant dense<0.000000e+00> : vector<2x128xf32>
    %dot_general3A_5 = tpu.matmul %get3A_1, %get3A_4, %dot_general3A {dimension_numbers = #tpu.dot_dimension_numbers<[1], [0], [0], [1], [0, 0, 1, 1], [], []>, transpose_lhs_hint = false} : vector<2x128xf32>, vector<128x128xf32>, vector<2x128xf32> -> vector<2x128xf32>
    %get3A_6 = arith.constant 0 : index
    %get3A_7 = arith.constant 0 : index
    %get3A_8 = vector.load %arg4[%get3A_6, %get3A_7] : memref<1x128xf32, #tpu.memory_space<vmem>>, vector<1x128xf32>
    %add3A = vector.broadcast %get3A_8 : vector<1x128xf32> to vector<2x128xf32>
    %add3A_9 = arith.addf %dot_general3A_5, %add3A : vector<2x128xf32>
    %max3A = arith.constant 0.000000e+00 : f32
    %max3A_10 = vector.broadcast %max3A : f32 to vector<2x128xf32>
    %max3A_11 = arith.maximumf %add3A_9, %max3A_10 : vector<2x128xf32>
    %get3A_12 = arith.constant 0 : index
    %get3A_13 = arith.constant 0 : index
    %get3A_14 = vector.load %arg5[%get3A_12, %get3A_13] : memref<128x128xf32, #tpu.memory_space<vmem>>, vector<128x128xf32>
    %dot_general3A_15 = arith.constant dense<0.000000e+00> : vector<2x128xf32>
    %dot_general3A_16 = tpu.matmul %max3A_11, %get3A_14, %dot_general3A_15 {dimension_numbers = #tpu.dot_dimension_numbers<[1], [0], [0], [1], [0, 0, 1, 1], [], []>, transpose_lhs_hint = false} : vector<2x128xf32>, vector<128x128xf32>, vector<2x128xf32> -> vector<2x128xf32>
    %get3A_17 = arith.constant 0 : index
    %get3A_18 = arith.constant 0 : index
    %get3A_19 = vector.load %arg6[%get3A_17, %get3A_18] : memref<1x128xf32, #tpu.memory_space<vmem>>, vector<1x128xf32>
    %slice3A = vector.extract_strided_slice %dot_general3A_16 {offsets = [0, 0], sizes = [1, 128], strides = [1, 1]} : vector<2x128xf32> to vector<1x128xf32>
    %slice3A_20 = vector.extract_strided_slice %dot_general3A_16 {offsets = [1, 0], sizes = [1, 128], strides = [1, 1]} : vector<2x128xf32> to vector<1x128xf32>
    %concatenate3A = tpu.concatenate %slice3A, %slice3A_20 in 1 : vector<1x128xf32>, vector<1x128xf32> -> vector<1x256xf32>
    %concatenate3A_21 = tpu.concatenate %get3A_19, %get3A_19 in 1 : vector<1x128xf32>, vector<1x128xf32> -> vector<1x256xf32>
    %convert_element_type3A = arith.truncf %concatenate3A : vector<1x256xf32> to vector<1x256xbf16>
    %convert_element_type3A_22 = arith.extf %convert_element_type3A : vector<1x256xbf16> to vector<1x256xf32>
    %sub3A = arith.subf %concatenate3A, %convert_element_type3A_22 : vector<1x256xf32>
    %get3A_23 = arith.constant 0 : index
    %get3A_24 = arith.constant 0 : index
    %get3A_25 = vector.load %arg0[%get3A_23, %get3A_24] : memref<2x10240xi32, #tpu.memory_space<vmem>>, vector<1x10240xi32>
    %get3A_26 = arith.constant 1 : index
    %get3A_27 = arith.constant 0 : index
    %get3A_28 = vector.load %arg0[%get3A_26, %get3A_27] : memref<2x10240xi32, #tpu.memory_space<vmem>>, vector<1x10240xi32>
    %add3A_29 = arith.addi %get3A_25, %get3A_28 : vector<1x10240xi32>
    %convert_element_type3A_30 = arith.sitofp %add3A_29 : vector<1x10240xi32> to vector<1x10240xf32>
    %get3A_31 = arith.constant 0 : index
    %get3A_32 = arith.constant 0 : index
    %get3A_33 = vector.load %arg1[%get3A_31, %get3A_32] : memref<2x10240xi32, #tpu.memory_space<vmem>>, vector<1x10240xi32>
    %get3A_34 = arith.constant 1 : index
    %get3A_35 = arith.constant 0 : index
    %get3A_36 = vector.load %arg1[%get3A_34, %get3A_35] : memref<2x10240xi32, #tpu.memory_space<vmem>>, vector<1x10240xi32>
    %add3A_37 = arith.addi %get3A_33, %get3A_36 : vector<1x10240xi32>
    %convert_element_type3A_38 = arith.sitofp %add3A_37 : vector<1x10240xi32> to vector<1x10240xf32>
    %dot_general3A_39 = arith.constant dense<0.000000e+00> : vector<10240x256xf32>
    %dot_general3A_40 = tpu.matmul %convert_element_type3A_30, %convert_element_type3A_22, %dot_general3A_39 {dimension_numbers = #tpu.dot_dimension_numbers<[0], [0], [1], [1], [0, 1, 1, 1], [], []>, transpose_lhs_hint = false} : vector<1x10240xf32>, vector<1x256xf32>, vector<10240x256xf32> -> vector<10240x256xf32>
    %dot_general3A_41 = arith.constant dense<0.000000e+00> : vector<10240x256xf32>
    %dot_general3A_42 = tpu.matmul %convert_element_type3A_30, %sub3A, %dot_general3A_41 {dimension_numbers = #tpu.dot_dimension_numbers<[0], [0], [1], [1], [0, 1, 1, 1], [], []>, transpose_lhs_hint = false} : vector<1x10240xf32>, vector<1x256xf32>, vector<10240x256xf32> -> vector<10240x256xf32>
    %add3A_43 = arith.addf %dot_general3A_40, %dot_general3A_42 : vector<10240x256xf32>
    %add3A_44 = vector.broadcast %concatenate3A_21 : vector<1x256xf32> to vector<10240x256xf32>
    %add3A_45 = arith.addf %add3A_43, %add3A_44 : vector<10240x256xf32>
    %max3A_46 = arith.constant 0.000000e+00 : f32
    %max3A_47 = vector.broadcast %max3A_46 : f32 to vector<10240x256xf32>
    %max3A_48 = arith.maximumf %add3A_45, %max3A_47 : vector<10240x256xf32>
    %dot_general3A_49 = arith.constant dense<0.000000e+00> : vector<1x256xf32>
    %dot_general3A_50 = tpu.matmul %convert_element_type3A_38, %max3A_48, %dot_general3A_49 {dimension_numbers = #tpu.dot_dimension_numbers<[1], [0], [0], [1], [0, 0, 1, 1], [], []>, transpose_lhs_hint = false} : vector<1x10240xf32>, vector<10240x256xf32>, vector<1x256xf32> -> vector<1x256xf32>
    %slice3A_51 = vector.extract_strided_slice %dot_general3A_50 {offsets = [0, 0], sizes = [1, 128], strides = [1, 1]} : vector<1x256xf32> to vector<1x128xf32>
    %slice3A_52 = vector.extract_strided_slice %dot_general3A_50 {offsets = [0, 128], sizes = [1, 128], strides = [1, 1]} : vector<1x256xf32> to vector<1x128xf32>
    %concatenate3A_53 = tpu.concatenate %slice3A_51, %slice3A_52 in 0 : vector<1x128xf32>, vector<1x128xf32> -> vector<2x128xf32>
    %get3A_54 = arith.constant 0 : index
    %get3A_55 = arith.constant 0 : index
    %get3A_56 = vector.load %arg5[%get3A_54, %get3A_55] : memref<128x128xf32, #tpu.memory_space<vmem>>, vector<128x128xf32>
    %dot_general3A_57 = arith.constant dense<0.000000e+00> : vector<2x128xf32>
    %dot_general3A_58 = tpu.matmul %concatenate3A_53, %get3A_56, %dot_general3A_57 {dimension_numbers = #tpu.dot_dimension_numbers<[1], [0], [0], [1], [0, 0, 1, 1], [], []>, transpose_lhs_hint = false} : vector<2x128xf32>, vector<128x128xf32>, vector<2x128xf32> -> vector<2x128xf32>
    %add3A_59 = vector.broadcast %get3A_19 : vector<1x128xf32> to vector<2x128xf32>
    %add3A_60 = arith.addf %dot_general3A_58, %add3A_59 : vector<2x128xf32>
    %max3A_61 = arith.constant 0.000000e+00 : f32
    %max3A_62 = vector.broadcast %max3A_61 : f32 to vector<2x128xf32>
    %max3A_63 = arith.maximumf %add3A_60, %max3A_62 : vector<2x128xf32>
    %get3A_64 = arith.constant 0 : index
    %get3A_65 = arith.constant 0 : index
    %get3A_66 = vector.load %arg7[%get3A_64, %get3A_65] : memref<128x1xf32, #tpu.memory_space<vmem>>, vector<128x1xf32>
    %dot_general3A_67 = arith.constant dense<0.000000e+00> : vector<2x1xf32>
    %dot_general3A_68 = tpu.matmul %max3A_63, %get3A_66, %dot_general3A_67 {dimension_numbers = #tpu.dot_dimension_numbers<[1], [0], [0], [1], [0, 0, 1, 1], [], []>, transpose_lhs_hint = false} : vector<2x128xf32>, vector<128x1xf32>, vector<2x1xf32> -> vector<2x1xf32>
    %get3A_69 = arith.constant 0 : index
    %get3A_70 = arith.constant 0 : index
    %get3A_71 = vector.load %arg8[%get3A_69, %get3A_70] : memref<1x1xf32, #tpu.memory_space<vmem>>, vector<1x1xf32>
    %add3A_72 = vector.broadcast %get3A_71 : vector<1x1xf32> to vector<2x1xf32>
    %add3A_73 = arith.addf %dot_general3A_68, %add3A_72 : vector<2x1xf32>
    %swap3A = arith.constant 0 : index
    %swap3A_74 = arith.constant 0 : index
    %swap3A_75 = vector.load %arg9[%swap3A, %swap3A_74] : memref<2x1xf32, #tpu.memory_space<vmem>>, vector<2x1xf32>
    tpu.vector_store %arg9[%swap3A, %swap3A_74], %add3A_73 {strides = array<i32>} : memref<2x1xf32, #tpu.memory_space<vmem>>, vector<2x1xf32>,
    return
  }
}

</mosaic_0001>

<sc_bundles>
// kernel: kernel.4.cloned.1.call-start
scs
__scs_entry_jumppad:
0x0: {  	(pc) =	sbr.rel $0x88, $3  }
0x1: {  	(tag) =	ssettag $0x0;
	lr =	simm.s32 $0x1  }
0x2: {  	[smem:$0x3F99] =	sst lr;
	_ =	strace $0xD0000000  }
0x3: {  	_ = 	snop  }
0x4: {  	_ = 	snop  }
0x5: {  	_ = 	snop  }
0x6: {  	_ = 	snop  }
0x7: {  	_ = 	snop  }
__scs_overlays_trampoline_lowered:
0x8: {  	[smem:$0x3FA8] =	sst s0  }
0x9: {  	[smem:$0x3FA9] =	sst s1  }
0xa: {  	[smem:$0x3FAA] =	sst s2  }
0xb: {  	[smem:$0x3FAB] =	sst s3  }
0xc: {  	[smem:$0x3FAC] =	sst s4  }
0xd: {  	[smem:$0x3FAD] =	sst s5  }
0xe: {  	[smem:$0x3FAE] =	sst s6  }
0xf: {  	[smem:$0x3FAF] =	sst s7  }
0x10: {  	[smem:$0x3FB0] =	sst s8  }
0x11: {  	[smem:$0x3FB1] =	sst s9;
	s0 =	simm.s32 @!p0 $0x0  }
0x12: {  	s1 =	sld [smem:$0x3F97];
	s0 =	simm.s32 @p0 $0x1  }
0x13: {  	[smem:$0x3FB2] =	sst s0;
	s0 =	simm.s32 @!p1 $0x0  }
0x14: {  	s2 =	sld [smem:$0x3F96];
	s0 =	simm.s32 @p1 $0x1  }
0x15: {  	[smem:$0x3FB3] =	sst s0;
	s0 =	simm.s32 @!p2 $0x0  }
0x16: {  	s3 =	sld [smem:$0x3FDB];
	s0 =	simm.s32 @p2 $0x1  }
0x17: {  	s4 =	simm.s32 $0x1BF5;
	[smem:$0x3FB5] =	sst s0  }
0x18: {  	s0 =	sld [smem:$0x3F98];
	_ =	swait.ge [sflag:s4], $0x0  }
0x19: {  	s7 =	sld [smem:$0x3F99]  }
0x1a: {  	s8 =	sadd.s32 $0xFFFFE003, lr  }
0x1b: {  	s9 =	sadd.s32 $0xFFFFFEF7, lr;
	s5 =	simm.s32 $0xFFFFFFFF;
	p2 =	slt.u32 s8, $0xFFFFF086  }
0x1c: {  	p1 =	slt.u32 s9, $0xF7A;
	s5 =	simm.s32 @!p2 $0x0  }
0x1d: {  	s5 =	simm.s32 @p1 $0x1;
	p0 =	seq.s32 s7, s2  }
0x1e: {  	s7 =	smul.u32 @!p0 $0xF7A, s2;
	p2 =	seq.s32 @!p0 s5, $0x0  }
0x1f: {  	s9 =	smul.u32 $0xF7A, s1;
	s8 =	simm.s32 @!p0 $0x1BF5;
	p2 =	por !p2, p0  }
0x20: {  	[sflag:s8] =	ssyncset.s32 @!p0 $0xFFFFF086;
	s6 =	sadd.s32 @!p0 s3, s7;
	s7 =	simm.s32 @!p0 $0x108  }
0x21: {  	s3 =	sadd.s32 s3, s9;
	s6 =	sadd.s32 @!p0 $0x88, s6;
	s7 =	simm.s32 @p2 $0x1082  }
0x22: {  	[simem:s7], [sflag:s8] =	dma.local @!p0 [hbm:s6], $0xF7A  }
0x23: {  	s9 =	sor.u32 $0xD0000000, s2;
	s6 =	simm.s32 $0x108;
	_ =	swait.ge @!p0 [sflag:s8], $0x0  }
0x24: {  	s3 =	sadd.s32 $0x88, s3;
	s6 =	simm.s32 @!p1 $0x1082;
	[sflag:s4] =	ssyncset.s32 $0xFFFFF086  }
0x25: {  	[simem:s6], [sflag:s4] =	dma.local [hbm:s3], $0xF7A  }
0x26: {  	[smem:$0x3F99] =	sst s1;
	(tag) =	ssettag s2;
	_ =	strace s9  }
0x27: {  	s1 =	sld [smem:$0x3FA9]  }
0x28: {  	s2 =	sld [smem:$0x3FAA]  }
0x29: {  	s4 =	sld [smem:$0x3FAC]  }
0x2a: {  	p0 =	seq.s32 s5, $0x0;
	s5 =	sld [smem:$0x3FAD]  }
0x2b: {  	s6 =	sld [smem:$0x3FAE]  }
0x2c: {  	s7 =	sld [smem:$0x3FAF]  }
0x2d: {  	s3 =	simm.s32 $0x108;
	s8 =	sld [smem:$0x3FB0]  }
0x2e: {  	s3 =	simm.s32 @!p0 $0x1082;
	s9 =	sld [smem:$0x3FB1]  }
0x2f: {  	lr =	sadd.s32 s0, s3;
	s0 =	sld [smem:$0x3FA8]  }
0x30: {  	s3 =	sld [smem:$0x3FAB]  }
0x31: {  	[smem:$0x3FB4] =	sst s10  }
0x32: {  	s10 =	sld [smem:$0x3FB2];
	_ =	sdelay $0x3  }
0x33: {  	p0 =	seq.s32 s10, $0x1;
	s10 =	sld [smem:$0x3FB4];
	_ =	sdelay $0x3  }
0x34: {  	[smem:$0x3FB4] =	sst s10  }
0x35: {  	s10 =	sld [smem:$0x3FB3];
	_ =	sdelay $0x3  }
0x36: {  	p1 =	seq.s32 s10, $0x1;
	s10 =	sld [smem:$0x3FB4];
	_ =	sdelay $0x3  }
0x37: {  	[smem:$0x3FB4] =	sst s10  }
0x38: {  	s10 =	sld [smem:$0x3FB5]  }
0x39: {  	_ = 	snop;
	(pc) =	sbr.ind lr, $3  }
0x3a: {  	_ = 	snop  }
0x3b: {  	_ = 	snop  }
0x3c: {  	p2 =	seq.s32 s10, $0x1;
	s10 =	sld [smem:$0x3FB4]  }
0x3d: {  	_ =	shalt  }
0x3e: {  	_ =	shalt  }
0x3f: {  	_ =	shalt  }
0x40: {  	_ =	shalt  }
0x41: {  	_ =	shalt  }
0x42: {  	_ =	shalt  }
0x43: {  	_ =	shalt  }
0x44: {  	_ =	shalt  }
0x45: {  	_ =	shalt  }
0x46: {  	_ =	shalt  }
0x47: {  	_ =	shalt  }
0x48: {  	_ =	shalt  }
0x49: {  	_ =	shalt  }
0x4a: {  	_ =	shalt  }
0x4b: {  	_ =	shalt  }
0x4c: {  	_ =	shalt  }
0x4d: {  	_ =	shalt  }
0x4e: {  	_ =	shalt  }
0x4f: {  	_ =	shalt  }
0x50: {  	_ =	shalt  }
0x51: {  	_ =	shalt  }
0x52: {  	_ =	shalt  }
0x53: {  	_ =	shalt  }
0x54: {  	_ =	shalt  }
0x55: {  	_ =	shalt  }
0x56: {  	_ =	shalt  }
0x57: {  	_ =	shalt  }
0x58: {  	_ =	shalt  }
0x59: {  	_ =	shalt  }
0x5a: {  	_ =	shalt  }
0x5b: {  	_ =	shalt  }
0x5c: {  	_ =	shalt  }
0x5d: {  	_ =	shalt  }
0x5e: {  	_ =	shalt  }
0x5f: {  	_ =	shalt  }
0x60: {  	_ =	shalt  }
0x61: {  	_ =	shalt  }
0x62: {  	_ =	shalt  }
0x63: {  	_ =	shalt  }
0x64: {  	_ =	shalt  }
0x65: {  	_ =	shalt  }
0x66: {  	_ =	shalt  }
0x67: {  	_ =	shalt  }
0x68: {  	_ =	shalt  }
0x69: {  	_ =	shalt  }
0x6a: {  	_ =	shalt  }
0x6b: {  	_ =	shalt  }
0x6c: {  	_ =	shalt  }
0x6d: {  	_ =	shalt  }
0x6e: {  	_ =	shalt  }
0x6f: {  	_ =	shalt  }
0x70: {  	_ =	shalt  }
0x71: {  	_ =	shalt  }
0x72: {  	_ =	shalt  }
0x73: {  	_ =	shalt  }
0x74: {  	_ =	shalt  }
0x75: {  	_ =	shalt  }
0x76: {  	_ =	shalt  }
0x77: {  	_ =	shalt  }
0x78: {  	_ =	shalt  }
0x79: {  	_ =	shalt  }
0x7a: {  	_ =	shalt  }
0x7b: {  	_ =	shalt  }
0x7c: {  	_ =	shalt  }
0x7d: {  	_ =	shalt  }
0x7e: {  	_ =	shalt  }
0x7f: {  	_ =	shalt  }
0x80: {  	_ =	shalt  }
0x81: {  	_ =	shalt  }
0x82: {  	_ =	shalt  }
0x83: {  	_ =	shalt  }
0x84: {  	_ =	shalt  }
0x85: {  	_ =	shalt  }
0x86: {  	_ =	shalt  }
0x87: {  	_ =	shalt  }
.Lfunc_end0:
.L_simem_size_0:
called_computation_lowered:
.L_overlay_start_0:
0x88: {  	s2 =	sld [smem:$0x3FD9]  }
0x89: {  	s3 =	sld [smem:$0x3FFE];
	_ =	sdelay $0x1  }
0x8a: {  	s1 =	srdreg.scid  }
0x8b: {  	s0 =	sand.u32 $0x1, s1  }
0x8c: {  	s17 =	sshll.u32 s0, $0xA;
	s2 =	sadd.s32 s3, s2  }
0x8d: {  	s2 =	sadd.s32 s2, s17  }
0x8e: {  	[smem:$0x3FC0] =	sst s2  }
0x8f: {  	_ = 	snop  }
0x90: {  	s2 =	sld [smem:$0x3FC8];
	(tm) =	ssettm $0x1  }
0x91: {  	s18 =	sld [smem:$0x3FFB];
	_ =	sdelay $0x3  }
0x92: {  	_ =	strace s18  }
0x93: {  	s3 =	sld [smem:$0x3FFC];
	_ =	sdelay $0x3  }
0x94: {  	_ =	strace s3  }
0x95: {  	s3 =	sld [smem:$0x3FFD];
	_ =	sdelay $0x3  }
0x96: {  	_ =	strace s3  }
0x97: {  	_ =	strace $0x8FFFFFFF  }
0x98: {  	s19 =	sld [smem:$0x3FDB];
	_ =	sdelay $0x1  }
0x99: {  	s4 =	simm.s32 $_scs_section_size  }
0x9a: {  	s5 =	simm.s32 $_size__tile_overlayer_lowered;
	s6 =	simm.s32 $_tile_overlayer_lowered  }
0x9b: {  	s22 =	simm.s32 $0x1BFF;
	s21 =	sshll.u32 s6, $0x1;
	s3 =	sadd.s32 s4, s19  }
0x9c: {  	s7 =	simm.s32 $0x0;
	s20 =	sshll.u32 s5, $0x1;
	s5 =	sadd.s32 s21, s3  }
0x9d: {  	[timem:s7], [sflag:s22] =	dma.local [hbm:s5], s20  }
0x9e: {  	_ =	swait.ge [sflag:s22], s20  }
0x9f: {  	s4 =	ssub.s32 $0x0, s20;
	[sflag:s22] =	ssyncset.done $0x0  }
0xa0: {  	[sflag:s22] =	ssyncadd.s32 s4;
	_ =	sdelay $0x1  }
0xa1: {  	s23 =	simm.s32 $0x1B8B  }
0xa2: {  	_ =	swait.ge [sflag:s23], $0x1  }
0xa3: {  	[sflag:s23] =	ssyncset.done $0x0  }
0xa4: {  	s25 =	simm.s32 $0x1B8E;
	s24 =	sld [smem:$0x3FFE];
	[sflag:s23] =	ssyncadd.s32 $0xFFFFFFFF  }
0xa5: {  	s26 =	simm.s32 $execute0_lowered;
	[smem:$0x3FD2] =	sst s25  }
0xa6: {  	s5 =	sshll.u32 s26, $0x1;
	_ =	strace $0x80000046;
	[dreg:$0x1] =	wrdreg $0xFFFFFFFF  }
0xa7: {  	s28 =	simm.s32 $_size_execute0_lowered;
	s3 =	sadd.s32 s3, s5;
	[dreg:$0x0] =	wrdreg $0x0  }
0xa8: {  	s5 =	sshll.u32 s28, $0x1;
	[dreg:$0x2] =	wrdreg s3  }
0xa9: {  	[dreg:$0x3] =	wrdreg s5  }
0xaa: {  	[dreg:$0x4] =	wrdreg $0xC0  }
0xab: {  	_ =	task [dreg:s7], $0x5FFFF  }
0xac: {  	[dreg:$0x1] =	wrdreg $0xFFFFFFFF  }
0xad: {  	[dreg:$0x0] =	wrdreg $0x60  }
0xae: {  	[dreg:$0x2] =	wrdreg s2  }
0xaf: {  	[dreg:$0x3] =	wrdreg s24  }
0xb0: {  	[dreg:$0x4] =	wrdreg $0xA6800  }
0xb1: {  	[dreg:$0x5] =	wrdreg $0xA9000  }
0xb2: {  	[dreg:$0x6] =	wrdreg $0x9  }
0xb3: {  	_ =	task.clear_ibuf [dreg:s7], $0x7FFFF;
	_ =	strace $0x90000046  }
0xb4: {  	s29 =	simm.s32 $0x9;
	_ =	strace $0x80000048  }
0xb5: {  	_ =	swait.ge [sflag:s29], $0x1  }
0xb6: {  	[sflag:s29] =	ssyncadd.s32 $0xFFFFFFFF  }
0xb7: {  	_ =	strace $0x90000048  }
0xb8: {  	_ =	sfence  }
0xb9: {  	s30 =	sld [smem:$0x0];
	_ =	sdelay $0x2  }
0xba: {  	s31 =	sshll.u32 s1, $0xD;
	s1 =	sshrl.u32 s1, $0x2  }
0xbb: {  	s3 =	sand.u32 $0x4000, s31;
	s1 =	sadd.s32 s1, s30  }
0xbc: {  	s0 =	sor.u32 s3, s0;
	s1 =	sshll.u32 s1, $0x11  }
0xbd: {  	s0 =	sor.u32 s1, s0  }
0xbe: {  	s0 =	sadd.s32 $0x8F2B, s0  }
0xbf: {  	[sflag:s0] =	ssyncadd.remote.s32 $0x1  }
0xc0: {  	_ =	sfence.sel $0xFFFF  }
0xc1: {  	[dreg:$0x0] =	wrdreg $0xFFFFFFFF;
	(pc) =	sbr.abs _section_cstart, $3  }
0xc2: {  	[dreg:$0x1] =	wrdreg $0xFFFFFFFF  }
0xc3: {  	_ =	task.clear_ibuf [dreg:s7], $0x2FFFF;
	_ =	strace $0x9FFFFFFF  }
0xc4: {  	(tm) =	ssettm $0x7FFFFFFF  }
0xc5: {  	_ =	shalt  }
tec
execute0_lowered:
.L_overlay_start_1:
0x0: {  	(tag) =	ssettag $0x1  }
0x1: {  	s7 =	rddreg [dreg:$0x0]  }
0x2: {  	s5 =	rddreg [dreg:$0x1]  }
0x3: {  	s0 =	rddreg [dreg:$0x2];
	s1 =	srdreg.scid  }
0x4: {  	s25 =	stileid.u32;
	s2 =	rddreg [dreg:$0x3];
	s3 =	simm.s32 $0x0  }
0x5: {  	s15 =	simm.s32 $0x2900;
	s17 =	simm.s32 $0x4;
	s19 =	simm.s32 $0xA400  }
0x6: {  	s20 =	simm.s32 $0x3;
	s21 =	simm.s32 $0x2;
	s22 =	simm.s32 $0x5200  }
0x7: {  	s23 =	simm.s32 $0x1;
	s24 =	simm.s32 $0x1480;
	s26 =	simm.s32 $0x8F80  }
0x8: {  	s28 =	simm.s32 $0x0;
	s4 =	sand.u32 $0x1, s1;
	s6 =	sshll.u32 s25, $0x1  }
0x9: {  	[smem:$0x7FF] =	sst s3;
	s11 =	smul.u32 $0x280, s25;
	p1 =	sne.s32 s25, $0x0  }
0xa: {  	s25 =	simm.s32 $0x7B00;
	s13 =	sor.u32 s4, s6;
	_ =	strace $0x80000047  }
0xb: {  	s8 =	sshll.u32 s4, $0x4;
	s9 =	ssub.s32 $0x2, s4;
	s6 =	smul.u32 $0x9C0, s13  }
0xc: {  	s10 =	sshrl.u32 s9, $0x1;
	s12 =	sadd.s32 s8, s5;
	s8 =	sadd.s32 s11, s0  }
0xd: {  	p0 =	sne.s32 s13, $0x1F;
	s13 =	simm.s32 $0x80;
	s14 =	ssub.s32 s9, s10  }
0xe: {  	s9 =	sadd.s32 s11, s2;
	s10 =	sadd.s32 $0x1800, s12;
	s11 =	sadd.s32 $0x2200, s12  }
0xf: {  	s4 =	sadd.s32 s7, s6;
	s6 =	sadd.s32 $0x13800, s7;
	s7 =	sadd.s32 $0x13810, s7  }
0x10: {  	v0 =	vimm.s32 $0x0;
	v1 =	vimm.s32 $0x1;
	v2 =	vimm.s32 $0x27FE;
	s12 =	smax.u32 s14, $0x1;
	s14 =	simm.s32 $0x100;
	s5 =	sadd.s32 $0x10, s4  }
.LBB2_1:
.Ltmp0:
0x11: {  	(pc) =	sbr.rel @p0 .LBB2_3-.Ltmp0, $4  }
0x12: {  	_ = 	snop  }
0x13: {  	[tilespmem:s15], [sflag:$0x2] =	stream.strided.gather [hbm4b:s5+s13], $0x2700, s14, s13, $0x38;
	[tilespmem:$0xAB80] =	vst v63  }
0x14: {  	_ = 	snop  }
0x15: {  	[tilespmem:s3], [sflag:$0x1] =	stream.strided.gather [hbm4b:s4+s13], $0x2700, s14, s13, $0x38;
	[tilespmem:$0xAB80] =	vst v63  }
0x16: {  	s1 =	simm.s32 $0x2700  }
0x17: {  	[tilespmem:s1], [sflag:$0x4] =	stream.strided.gather [hbm4b:s6+s13], $0x200, s14, s13, $0x38;
	[tilespmem:$0xAB80] =	vst v63  }
0x18: {  	_ =	swait.ge [sflag:s17], $0x200  }
0x19: {  	[sflag:s17] =	ssyncset.done $0x0  }
.Ltmp1:
0x1a: {  	s31 =	simm.s32 $0x5000;
	[sflag:s17] =	ssyncadd.s32 $0xFFFFFE00;
	(pc) =	sbr.rel .LBB2_6-.Ltmp1, $4  }
0x1b: {  	[tilespmem:s31], [sflag:$0x4] =	stream.strided.gather [hbm4b:s7+s13], $0x200, s14, s13, $0x38;
	[tilespmem:$0xAB80] =	vst v63  }
0x1c: {  	_ =	swait.ge [sflag:s17], $0x200  }
0x1d: {  	[sflag:s17] =	ssyncset.done $0x0  }
0x1e: {  	[sflag:s17] =	ssyncadd.s32 $0xFFFFFE00  }
.LBB2_3:
0x1f: {  	s29 =	simm.s32 $0x10;
	s30 =	sand.u32 $0x1F0, s3  }
.LBB2_4:
0x20: {  	p2 =	sne.s32 s29, $0x1F0;
	[tilespmem:s30+$0x2700] =	vst v0;
	s31 =	smov.u32 s29;
	s29 =	sadd.s32 $0x10, s29  }
.Ltmp2:
0x21: {  	[tilespmem:s30+$0x5000] =	vst v2;
	(pc) =	sbr.rel @p2 .LBB2_4-.Ltmp2, $2  }
0x22: {  	_ =	sdelay $0x2  }
0x23: {  	s30 =	sand.u32 $0x1F0, s31  }
0x24: {  	[tilespmem:s30+$0x2700] =	vst v0  }
0x25: {  	[tilespmem:s30+$0x5000] =	vst v2  }
.LBB2_6:
0x26: {  	[tilespmem:$0xA400] =	vst v0  }
0x27: {  	[tilespmem:$0xA410] =	vst v0  }
0x28: {  	[tilespmem:$0xA420] =	vst v0  }
0x29: {  	[tilespmem:$0xA430] =	vst v0  }
0x2a: {  	[tilespmem:$0xA440] =	vst v0  }
0x2b: {  	[tilespmem:$0xA450] =	vst v0  }
0x2c: {  	[tilespmem:$0xA460] =	vst v0  }
0x2d: {  	[tilespmem:$0xA470] =	vst v0  }
0x2e: {  	[tilespmem:$0xA480] =	vst v0  }
0x2f: {  	[tilespmem:$0xA490] =	vst v0  }
0x30: {  	[tilespmem:$0xA4A0] =	vst v0  }
0x31: {  	[tilespmem:$0xA4B0] =	vst v0  }
0x32: {  	[tilespmem:$0xA4C0] =	vst v0  }
0x33: {  	[tilespmem:$0xA4D0] =	vst v0  }
0x34: {  	[tilespmem:$0xA4E0] =	vst v0  }
0x35: {  	[tilespmem:$0xA4F0] =	vst v0  }
0x36: {  	[tilespmem:$0xA500] =	vst v0  }
0x37: {  	[tilespmem:$0xA510] =	vst v0  }
0x38: {  	[tilespmem:$0xA520] =	vst v0  }
0x39: {  	[tilespmem:$0xA530] =	vst v0  }
0x3a: {  	[tilespmem:$0xA540] =	vst v0  }
0x3b: {  	[tilespmem:$0xA550] =	vst v0  }
0x3c: {  	[tilespmem:$0xA560] =	vst v0  }
0x3d: {  	[tilespmem:$0xA570] =	vst v0  }
0x3e: {  	[tilespmem:$0xA580] =	vst v0  }
0x3f: {  	[tilespmem:$0xA590] =	vst v0  }
0x40: {  	[tilespmem:$0xA5A0] =	vst v0  }
0x41: {  	[tilespmem:$0xA5B0] =	vst v0  }
0x42: {  	[tilespmem:$0xA5C0] =	vst v0  }
0x43: {  	[tilespmem:$0xA5D0] =	vst v0  }
0x44: {  	[tilespmem:$0xA5E0] =	vst v0  }
0x45: {  	[tilespmem:$0xA5F0] =	vst v0  }
0x46: {  	[tilespmem:$0xA600] =	vst v0  }
0x47: {  	[tilespmem:$0xA610] =	vst v0  }
0x48: {  	[tilespmem:$0xA620] =	vst v0  }
0x49: {  	[tilespmem:$0xA630] =	vst v0  }
0x4a: {  	[tilespmem:$0xA640] =	vst v0  }
0x4b: {  	[tilespmem:$0xA650] =	vst v0  }
0x4c: {  	[tilespmem:$0xA660] =	vst v0  }
0x4d: {  	[tilespmem:$0xA670] =	vst v0  }
0x4e: {  	[spmem:s8] =	stream.linear.scatter [tilespmem:s19], [sflag:$0x3], $0x280, $0x38;
	[tilespmem:$0xAB80] =	vst v63  }
0x4f: {  	s30 =	simm.s32 $0x100;
	s29 =	simm.s32 $0x0  }
0x50: {  	[spmem:s9] =	stream.linear.scatter [tilespmem:s19], [sflag:$0x3], $0x280, $0x38;
	[tilespmem:$0xAB80] =	vst v63  }
.LBB2_7:
0x51: {  	p2 =	sne.s32 s30, $0xA300;
	[tilespmem:s29+$0x5230] =	vst v1;
	s31 =	smov.u32 s30;
	s30 =	sadd.s32 $0x100, s30  }
.Ltmp3:
0x52: {  	[tilespmem:s29+$0x5220] =	vst v1;
	(pc) =	sbr.rel @p2 .LBB2_7-.Ltmp3, $3  }
0x53: {  	[tilespmem:s29+$0x5200] =	vst v1  }
0x54: {  	[tilespmem:s29+$0x5210] =	vst v1;
	_ =	sdelay $0x1  }
0x55: {  	s29 =	sshra.s32 s31, $0x2  }
0x56: {  	[tilespmem:s29+$0x5230] =	vst v1  }
0x57: {  	[tilespmem:s29+$0x5220] =	vst v1  }
0x58: {  	[tilespmem:s29+$0x5200] =	vst v1  }
0x59: {  	[tilespmem:s29+$0x5210] =	vst v1  }
0x5a: {  	_ =	swait.ge [sflag:s20], $0x280  }
0x5b: {  	[sflag:s20] =	ssyncset.done $0x0  }
0x5c: {  	[sflag:s20] =	ssyncadd.s32 $0xFFFFFD80  }
0x5d: {  	_ =	swait.ge [sflag:s20], $0x280  }
0x5e: {  	[sflag:s20] =	ssyncset.done $0x0  }
0x5f: {  	[sflag:s20] =	ssyncadd.s32 $0xFFFFFD80  }
0x60: {  	_ =	swait.ge [sflag:s21], $0x2700  }
0x61: {  	[sflag:s21] =	ssyncset.done $0x0  }
0x62: {  	[sflag:s21] =	ssyncadd.s32 $0xFFFFD900  }
0x63: {  	s29 =	simm.s32 $0x0;
	[bflag:$0x0] =	sbarrier.arrive $0xFFFF  }
0x64: {  	[spmem:s0] =	stream.indirect.scatter.add.s32 [tilespmem:s22], [sflag:$0x2], $0x1, s15, s15, $0xb8;
	[tilespmem:$0xAB80] =	vst v63  }
0x65: {  	v5 =	vld [tilespmem:s29+$0x2930]  }
0x66: {  	v6 =	vld [tilespmem:s29+$0x2900]  }
0x67: {  	v4 =	vld [tilespmem:s29+$0x2910]  }
0x68: {  	v3 =	vld [tilespmem:s29+$0x2920]  }
0x69: {  	s30 =	simm.s32 $0x100  }
.LBB2_9:
0x6a: {  	s31 =	sshra.s32 s30, $0x2;
	p2 =	sne.s32 s30, $0x5100;
	s30 =	sadd.s32 $0x100, s30;
	vm0 =	veq.s32 v5, $0x0  }
.Ltmp4:
0x6b: {  	v5 =	vld [tilespmem:s31+$0x2930];
	vm1 =	veq.s32 v6, $0x0;
	v7 =	vsel vm0, $0x1, v0;
	(pc) =	sbr.rel @p2 .LBB2_9-.Ltmp4, $4  }
0x6c: {  	v6 =	vld [tilespmem:s31+$0x2900];
	v8 =	vsel vm1, $0x1, v0;
	vm0 =	veq.s32 v4, $0x0;
	[tilespmem:s29+$0x7B30] =	vst v7  }
0x6d: {  	v4 =	vld [tilespmem:s31+$0x2910];
	[tilespmem:s29+$0x7B00] =	vst v8;
	v7 =	vsel vm0, $0x1, v0;
	vm0 =	veq.s32 v3, $0x0  }
0x6e: {  	v3 =	vld [tilespmem:s31+$0x2920];
	[tilespmem:s29+$0x7B10] =	vst v7;
	v7 =	vsel vm0, $0x1, v0  }
0x6f: {  	[tilespmem:s29+$0x7B20] =	vst v7;
	s29 =	smov.u32 s31  }
0x70: {  	vm0 =	veq.s32 v5, $0x0  }
0x71: {  	vm1 =	veq.s32 v6, $0x0;
	v5 =	vsel vm0, $0x1, v0  }
0x72: {  	v6 =	vsel vm1, $0x1, v0;
	vm14 =	veq.s32 v4, $0x0;
	[tilespmem:s29+$0x7B30] =	vst v5  }
0x73: {  	[tilespmem:s29+$0x7B00] =	vst v6;
	v4 =	vsel vm14, $0x1, v0;
	vm15 =	veq.s32 v3, $0x0  }
0x74: {  	[tilespmem:s29+$0x7B10] =	vst v4;
	v3 =	vsel vm15, $0x1, v0  }
0x75: {  	[tilespmem:s29+$0x7B20] =	vst v3  }
0x76: {  	_ =	swait.ge [sflag:s23], $0x2700  }
0x77: {  	[sflag:s23] =	ssyncset.done $0x0  }
0x78: {  	s29 =	simm.s32 $0x0;
	[sflag:s23] =	ssyncadd.s32 $0xFFFFD900  }
0x79: {  	[spmem:s2] =	stream.indirect.scatter.add.s32 [tilespmem:s25], [sflag:$0x1], $0x1, s29, s24, $0xb8;
	[tilespmem:$0xAB80] =	vst v63  }
0x7a: {  	s29 =	simm.s32 $0x0  }
0x7b: {  	v5 =	vld [tilespmem:s29+$0x3DB0]  }
0x7c: {  	v6 =	vld [tilespmem:s29+$0x3D80]  }
0x7d: {  	v4 =	vld [tilespmem:s29+$0x3D90]  }
0x7e: {  	v3 =	vld [tilespmem:s29+$0x3DA0]  }
0x7f: {  	s30 =	simm.s32 $0x100  }
.LBB2_11:
0x80: {  	s31 =	sshra.s32 s30, $0x2;
	p2 =	sne.s32 s30, $0x5100;
	s30 =	sadd.s32 $0x100, s30;
	vm0 =	veq.s32 v5, $0x0  }
.Ltmp5:
0x81: {  	v5 =	vld [tilespmem:s31+$0x3DB0];
	vm1 =	veq.s32 v6, $0x0;
	v7 =	vsel vm0, $0x1, v0;
	(pc) =	sbr.rel @p2 .LBB2_11-.Ltmp5, $4  }
0x82: {  	v6 =	vld [tilespmem:s31+$0x3D80];
	v8 =	vsel vm1, $0x1, v0;
	vm0 =	veq.s32 v4, $0x0;
	[tilespmem:s29+$0x8FB0] =	vst v7  }
0x83: {  	v4 =	vld [tilespmem:s31+$0x3D90];
	[tilespmem:s29+$0x8F80] =	vst v8;
	v7 =	vsel vm0, $0x1, v0;
	vm0 =	veq.s32 v3, $0x0  }
0x84: {  	v3 =	vld [tilespmem:s31+$0x3DA0];
	[tilespmem:s29+$0x8F90] =	vst v7;
	v7 =	vsel vm0, $0x1, v0  }
0x85: {  	[tilespmem:s29+$0x8FA0] =	vst v7;
	s29 =	smov.u32 s31  }
0x86: {  	vm0 =	veq.s32 v5, $0x0  }
0x87: {  	vm1 =	veq.s32 v6, $0x0;
	v5 =	vsel vm0, $0x1, v0  }
0x88: {  	v6 =	vsel vm1, $0x1, v0;
	vm14 =	veq.s32 v4, $0x0;
	[tilespmem:s29+$0x8FB0] =	vst v5  }
0x89: {  	[tilespmem:s29+$0x8F80] =	vst v6;
	v4 =	vsel vm14, $0x1, v0;
	vm15 =	veq.s32 v3, $0x0  }
0x8a: {  	[tilespmem:s29+$0x8F90] =	vst v4;
	v3 =	vsel vm15, $0x1, v0  }
0x8b: {  	[tilespmem:s29+$0x8FA0] =	vst v3  }
0x8c: {  	[spmem:s2] =	stream.indirect.scatter.add.s32 [tilespmem:s26], [sflag:$0x1], $0x1, s24, s24, $0xb8;
	[tilespmem:$0xAB80] =	vst v63  }
0x8d: {  	_ =	swait.ge [sflag:s21], $0x2900  }
0x8e: {  	[sflag:s21] =	ssyncset.done $0x0  }
0x8f: {  	[sflag:s21] =	ssyncadd.s32 $0xFFFFD700  }
0x90: {  	_ =	swait.ge [sflag:s23], $0x1480  }
0x91: {  	[sflag:s23] =	ssyncset.done $0x0  }
0x92: {  	[sflag:s23] =	ssyncadd.s32 $0xFFFFEB80  }
0x93: {  	_ =	swait.ge [sflag:s23], $0x1480  }
0x94: {  	s30 =	simm.s32 @!p1 $0x1;
	[sflag:s23] =	ssyncset.done $0x0  }
0x95: {  	s31 =	simm.s32 @!p1 $0x20;
	s1 =	simm.s32 @!p1 $0x10;
	[sflag:s23] =	ssyncadd.s32 $0xFFFFEB80  }
0x96: {  	s16 =	simm.s32 @!p1 $0x1C04;
	s29 =	sshrl.u32 @!p1 s0, $0x3;
	[bflag:$0x0] =	sbarrier.arrive $0xFFFF  }
0x97: {  	[hbm:s10@s31], [sflag:s16] =	dma.strided @!p1 [spmem:s29@s1], $0x500, s30, $0x10   }
0x98: {  	s29 =	simm.s32 @!p1 $0x4  }
0x99: {  	s28 =	sadd.s32 $0x1, s28;
	_ =	swait.ge @!p1 [sflag:s29], $0x500  }
0x9a: {  	p2 =	sne.s32 s28, s12;
	[sflag:s29] =	ssyncset.done @!p1 $0x0  }
.Ltmp6:
0x9b: {  	s18 =	sshrl.u32 @!p1 s2, $0x3;
	[sflag:s29] =	ssyncadd.s32 @!p1 $0xFFFFFB00;
	(pc) =	sbr.rel @p2 .LBB2_1-.Ltmp6, $4  }
0x9c: {  	[hbm:s11@s31], [sflag:s16] =	dma.strided @!p1 [spmem:s18@s1], $0x500, s30, $0x10   }
0x9d: {  	_ =	swait.ge @!p1 [sflag:s29], $0x500  }
0x9e: {  	[sflag:s29] =	ssyncset.done @!p1 $0x0  }
0x9f: {  	[sflag:s29] =	ssyncadd.s32 @!p1 $0xFFFFFB00  }
0xa0: {  	_ =	sfence.sel $0x180000  }
0xa1: {  	[bflag:$0x0] =	sbarrier.arrive $0xFFFF  }
0xa2: {  	_ =	strace $0x90000047  }
0xa3: {  	[bflag:$0x2] =	sbarrier.arrive $0xFFFF  }
0xa4: {  	s0 =	rddreg [dreg:$0x4]  }
0xa5: {  	s0 =	sadd.s32 @!p1 $0x100000, s0  }
0xa6: {  	[sflag:s0] =	ssyncadd.tile.s32 @!p1 $0x1;
	_ =	shalt  }
.Lfunc_end2:
_tile_overlayer_lowered:
.L_overlay_start_2:
0xa7: {  	(tag) =	ssettag $0x2  }
0xa8: {  	s0 =	rddreg [dreg:$0x0];
	s2 =	stileid.u32  }
0xa9: {  	s1 =	rddreg [dreg:$0x1];
	p0 =	sne.s32 s2, $0x0  }
0xaa: {  	s3 =	rddreg [dreg:$0x2];
	[bflag:$0x3] =	sbarrier.arrive $0xFFFF;
	s2 =	simm.s32 @!p0 $0x1C04  }
0xab: {  	[timem:s3], [sflag:s2] =	dma.local @!p0 [hbm:s0], s1  }
0xac: {  	s0 =	simm.s32 @!p0 $0x4  }
0xad: {  	_ =	swait.ge @!p0 [sflag:s0], s1  }
0xae: {  	s1 =	ssub.s32 @!p0 $0x0, s1;
	[sflag:s0] =	ssyncset.done @!p0 $0x0  }
0xaf: {  	[sflag:s0] =	ssyncadd.s32 @!p0 s1  }
0xb0: {  	[bflag:$0x3] =	sbarrier.arrive $0xFFFF  }
0xb1: {  	_ =	shalt  }

</sc_bundles>
